<compile_context>
chip_gen: v7x
topology: tpu7x:2x2x1
jax: 0.10.2.dev20260603
libtpu: 0.0.44.dev20260713+nightly
codegen_flags: <defaults>
</compile_context>

<pallas_src>
import functools

import jax
import jax.numpy as jnp
import numpy as np
from jax import lax
from jax.experimental import pallas as pl
from jax.experimental.pallas import tpu as pltpu
from jax.experimental.pallas import tpu_sc as plsc

_GRID_SIZE = 1024
_INPUT_MIN = -1.0
_INPUT_RANGE = 2.0
_CLIP_HI = np.float32(1.0 - 1e-06)

_ROWS = 16384
_COLS = 100
_LANES = 16

_NC = 2
_NS = 16
_NW = _NC * _NS
_ROWS_PER_TILE = _ROWS // _NW

_OFFS_DISJOINT = (0, 16, 32, 48, 64)
_OFFS_TAIL = (80, _COLS - _LANES)


def _spline_body(x_hbm, bases_hbm, slopes_hbm, out_hbm, xbuf, btab, stab):
    wid = lax.axis_index("s") * _NC + lax.axis_index("c")
    r0 = wid * _ROWS_PER_TILE

    pltpu.sync_copy(bases_hbm, btab)
    pltpu.sync_copy(slopes_hbm, stab)
    pltpu.sync_copy(x_hbm.at[pl.ds(r0, _ROWS_PER_TILE), :], xbuf)

    def _interp(xv):
        xn = (xv - _INPUT_MIN) * (1.0 / _INPUT_RANGE)
        xn = jnp.minimum(jnp.maximum(xn, 0.0), _CLIP_HI)
        t = xn * float(_GRID_SIZE)
        idx = t.astype(jnp.int32)
        xl = t - idx.astype(jnp.float32)
        b = plsc.load_gather(btab, [idx])
        s = plsc.load_gather(stab, [idx])
        return b + s * xl

    @plsc.parallel_loop(0, _ROWS_PER_TILE, unroll=2)
    def _row(i):
        tails = [xbuf[i, pl.ds(off, _LANES)] for off in _OFFS_TAIL]
        for off in _OFFS_DISJOINT:
            xbuf[i, pl.ds(off, _LANES)] = _interp(xbuf[i, pl.ds(off, _LANES)])
        for off, xv in zip(_OFFS_TAIL, tails):
            xbuf[i, pl.ds(off, _LANES)] = _interp(xv)

    pltpu.sync_copy(xbuf, out_hbm.at[pl.ds(r0, _ROWS_PER_TILE), :])


@jax.jit
def kernel(x, bases, slopes):
    mesh = plsc.VectorSubcoreMesh(core_axis_name="c", subcore_axis_name="s")
    run = pl.kernel(
        _spline_body,
        mesh=mesh,
        out_type=jax.ShapeDtypeStruct((_ROWS, _COLS), jnp.float32),
        scratch_types=[
            pltpu.VMEM((_ROWS_PER_TILE, _COLS), jnp.float32),
            pltpu.VMEM((_GRID_SIZE,), jnp.float32),
            pltpu.VMEM((_GRID_SIZE,), jnp.float32),
        ],
        compiler_params=pltpu.CompilerParams(needs_layout_passes=False),
    )
    return run(x, bases, slopes)

# --- scband reference (transcript-rebuilt; emitter-appended) ---
"""Pipeline reference for scband-spline1-d-51934744543443 (READ-ONLY COPY).

The authoritative reference and input builder live on the scoring server;
editing this copy changes nothing except your own understanding.
"""

import jax, jax.numpy as jnp
import numpy as np

GRID_SIZE = 1024
INPUT_MIN = -1.0
INPUT_MAX = 1.0
INPUT_RANGE = INPUT_MAX - INPUT_MIN


def setup_inputs(seed: int = 0) -> dict:
    key = jax.random.key(seed)
    k1, = jax.random.split(key, 1)
    x = jax.random.normal(k1, (16384, 100), dtype=jnp.float32)
    bases = jnp.zeros((GRID_SIZE,), dtype=jnp.float32)
    slopes = jnp.ones((GRID_SIZE,), dtype=jnp.float32) * 0.1
    return {"x": x, "bases": bases, "slopes": slopes}


def reference(x, bases, slopes):
    x_norm = (x - INPUT_MIN) / INPUT_RANGE
    x_norm = jnp.clip(x_norm, 0.0, 1.0 - 1e-06)
    idx = (x_norm * GRID_SIZE).astype(jnp.int32)
    idx = jnp.clip(idx, 0, GRID_SIZE - 1)
    interval_size = 1.0 / GRID_SIZE
    x_local = (x_norm - idx.astype(jnp.float32) * interval_size) / interval_size
    base = jnp.take(bases, idx, axis=0)
    slope = jnp.take(slopes, idx, axis=0)
    y = base + slope * x_local
    return y

if __name__ == "__main__":
    import jax
    _d = setup_inputs()
    print(jax.jit(kernel)(*tuple(_d.values())))

</pallas_src>

<mosaic_0001>
#map = affine_map<(d0, d1) -> (0, 0)>
#map1 = affine_map<(d0, d1) -> (0)>
module attributes {stable_mosaic.version = 14 : i64} {
  func.func @_spline_body(%arg0: i32, %arg1: i32, %arg2: memref<16384x100xf32, #tpu.memory_space<hbm>>, %arg3: memref<1024xf32, #tpu.memory_space<hbm>>, %arg4: memref<1024xf32, #tpu.memory_space<hbm>>, %arg5: memref<16384x100xf32, #tpu.memory_space<hbm>>, %arg6: memref<512x100xf32, #tpu.memory_space<vmem>>, %arg7: memref<1024xf32, #tpu.memory_space<vmem>>, %arg8: memref<1024xf32, #tpu.memory_space<vmem>>) attributes {dimension_semantics = [#tpu.dimension_semantics<core_parallel>, #tpu.dimension_semantics<subcore_parallel>], iteration_bounds = array<i64: 2, 16>, scalar_prefetch = 0 : i64, scratch_operands = 3 : i64, tpu.core_type = #tpu.core_type<sc_vector_subcore>, window_params = [{transform_indices = #map}, {transform_indices = #map1}, {transform_indices = #map1}, {transform_indices = #map}]} {
    %mul3A = arith.constant 2 : i32
    %mul3A_0 = arith.muli %arg1, %mul3A : i32
    %add3A = arith.addi %mul3A_0, %arg0 : i32
    %mul3A_1 = arith.constant 512 : i32
    %mul3A_2 = arith.muli %add3A, %mul3A_1 : i32
    "tpu.region"() ({
      %run_scoped3A = tpu.sem_alloc : memref<!tpu.dma_semaphore, #tpu.memory_space<semaphore_mem>>
      tpu.enqueue_dma source(%arg3 : memref<1024xf32, #tpu.memory_space<hbm>>) target(%arg7 : memref<1024xf32, #tpu.memory_space<vmem>>) target_semaphore(%run_scoped3A : memref<!tpu.dma_semaphore, #tpu.memory_space<semaphore_mem>>)
      tpu.wait_dma2 semaphore(%run_scoped3A : memref<!tpu.dma_semaphore, #tpu.memory_space<semaphore_mem>>) src(%arg3 : memref<1024xf32, #tpu.memory_space<hbm>>) dst(%arg7 : memref<1024xf32, #tpu.memory_space<vmem>>)
      tpu.yield
    }) : () -> ()
    "tpu.region"() ({
      %run_scoped3A = tpu.sem_alloc : memref<!tpu.dma_semaphore, #tpu.memory_space<semaphore_mem>>
      tpu.enqueue_dma source(%arg4 : memref<1024xf32, #tpu.memory_space<hbm>>) target(%arg8 : memref<1024xf32, #tpu.memory_space<vmem>>) target_semaphore(%run_scoped3A : memref<!tpu.dma_semaphore, #tpu.memory_space<semaphore_mem>>)
      tpu.wait_dma2 semaphore(%run_scoped3A : memref<!tpu.dma_semaphore, #tpu.memory_space<semaphore_mem>>) src(%arg4 : memref<1024xf32, #tpu.memory_space<hbm>>) dst(%arg8 : memref<1024xf32, #tpu.memory_space<vmem>>)
      tpu.yield
    }) : () -> ()
    "tpu.region"() ({
      %run_scoped3A = tpu.sem_alloc : memref<!tpu.dma_semaphore, #tpu.memory_space<semaphore_mem>>
      %dma_start3A = arith.constant 0 : i32
      %dma_start3A_5 = tpu.memref_slice %arg2[%mul3A_2, %dma_start3A] : memref<16384x100xf32, #tpu.memory_space<hbm>> -> memref<512x100xf32, #tpu.memory_space<hbm>>
      %dma_start3A_6 = arith.constant 0 : i32
      %dma_start3A_7 = tpu.memref_slice %arg2[%mul3A_2, %dma_start3A_6] : memref<16384x100xf32, #tpu.memory_space<hbm>> -> memref<512x100xf32, #tpu.memory_space<hbm>>
      tpu.enqueue_dma source(%dma_start3A_7 : memref<512x100xf32, #tpu.memory_space<hbm>>) target(%arg6 : memref<512x100xf32, #tpu.memory_space<vmem>>) target_semaphore(%run_scoped3A : memref<!tpu.dma_semaphore, #tpu.memory_space<semaphore_mem>>)
      %dma_wait3A = arith.constant 0 : i32
      %dma_wait3A_8 = tpu.memref_slice %arg2[%mul3A_2, %dma_wait3A] : memref<16384x100xf32, #tpu.memory_space<hbm>> -> memref<512x100xf32, #tpu.memory_space<hbm>>
      %dma_wait3A_9 = arith.constant 0 : i32
      %dma_wait3A_10 = tpu.memref_slice %arg2[%mul3A_2, %dma_wait3A_9] : memref<16384x100xf32, #tpu.memory_space<hbm>> -> memref<512x100xf32, #tpu.memory_space<hbm>>
      tpu.wait_dma2 semaphore(%run_scoped3A : memref<!tpu.dma_semaphore, #tpu.memory_space<semaphore_mem>>) src(%dma_wait3A_10 : memref<512x100xf32, #tpu.memory_space<hbm>>) dst(%arg6 : memref<512x100xf32, #tpu.memory_space<vmem>>)
      tpu.yield
    }) : () -> ()
    %parallel_loop3A = arith.constant 0 : i32
    %parallel_loop3A_3 = arith.constant 512 : i32
    %parallel_loop3A_4 = arith.constant 1 : i32
    scf.for %parallel_loop3A_5 = %parallel_loop3A to %parallel_loop3A_3 step %parallel_loop3A_4  : i32 {
      %parallel_loop3A_6 = arith.index_cast %parallel_loop3A_5 : i32 to index
      %parallel_loop3A_7 = arith.constant 80 : index
      %parallel_loop3A_8 = tpu.vector_load %arg6[%parallel_loop3A_6, %parallel_loop3A_7] {strides = array<i32>} : memref<512x100xf32, #tpu.memory_space<vmem>>, vector<16xf32>,
      %parallel_loop3A_9 = arith.index_cast %parallel_loop3A_5 : i32 to index
      %parallel_loop3A_10 = arith.constant 84 : index
      %parallel_loop3A_11 = tpu.vector_load %arg6[%parallel_loop3A_9, %parallel_loop3A_10] {strides = array<i32>} : memref<512x100xf32, #tpu.memory_space<vmem>>, vector<16xf32>,
      %parallel_loop3A_12 = arith.index_cast %parallel_loop3A_5 : i32 to index
      %parallel_loop3A_13 = arith.constant 0 : index
      %parallel_loop3A_14 = tpu.vector_load %arg6[%parallel_loop3A_12, %parallel_loop3A_13] {strides = array<i32>} : memref<512x100xf32, #tpu.memory_space<vmem>>, vector<16xf32>,
      %parallel_loop3A_15 = arith.constant -1.000000e+00 : f32
      %parallel_loop3A_16 = vector.broadcast %parallel_loop3A_15 : f32 to vector<16xf32>
      %parallel_loop3A_17 = arith.subf %parallel_loop3A_14, %parallel_loop3A_16 : vector<16xf32>
      %parallel_loop3A_18 = arith.constant 5.000000e-01 : f32
      %parallel_loop3A_19 = vector.broadcast %parallel_loop3A_18 : f32 to vector<16xf32>
      %parallel_loop3A_20 = arith.mulf %parallel_loop3A_17, %parallel_loop3A_19 : vector<16xf32>
      %parallel_loop3A_21 = arith.constant 0.000000e+00 : f32
      %parallel_loop3A_22 = vector.broadcast %parallel_loop3A_21 : f32 to vector<16xf32>
      %parallel_loop3A_23 = arith.maximumf %parallel_loop3A_20, %parallel_loop3A_22 : vector<16xf32>
      %parallel_loop3A_24 = arith.constant 0.999998986 : f32
      %parallel_loop3A_25 = vector.broadcast %parallel_loop3A_24 : f32 to vector<16xf32>
      %parallel_loop3A_26 = arith.minimumf %parallel_loop3A_23, %parallel_loop3A_25 : vector<16xf32>
      %parallel_loop3A_27 = arith.constant 1.024000e+03 : f32
      %parallel_loop3A_28 = vector.broadcast %parallel_loop3A_27 : f32 to vector<16xf32>
      %parallel_loop3A_29 = arith.mulf %parallel_loop3A_26, %parallel_loop3A_28 : vector<16xf32>
      %parallel_loop3A_30 = arith.fptosi %parallel_loop3A_29 : vector<16xf32> to vector<16xi32>
      %parallel_loop3A_31 = arith.sitofp %parallel_loop3A_30 : vector<16xi32> to vector<16xf32>
      %parallel_loop3A_32 = arith.subf %parallel_loop3A_29, %parallel_loop3A_31 : vector<16xf32>
      %parallel_loop3A_33 = tpu.vector_load_idx %arg7[%parallel_loop3A_30] : memref<1024xf32, #tpu.memory_space<vmem>>[vector<16xi32>], vector<16xf32>,
      %parallel_loop3A_34 = tpu.vector_load_idx %arg8[%parallel_loop3A_30] : memref<1024xf32, #tpu.memory_space<vmem>>[vector<16xi32>], vector<16xf32>,
      %parallel_loop3A_35 = arith.mulf %parallel_loop3A_34, %parallel_loop3A_32 : vector<16xf32>
      %parallel_loop3A_36 = arith.addf %parallel_loop3A_33, %parallel_loop3A_35 : vector<16xf32>
      %parallel_loop3A_37 = arith.index_cast %parallel_loop3A_5 : i32 to index
      %parallel_loop3A_38 = arith.constant 0 : index
      %parallel_loop3A_39 = tpu.vector_load %arg6[%parallel_loop3A_37, %parallel_loop3A_38] {strides = array<i32>} : memref<512x100xf32, #tpu.memory_space<vmem>>, vector<16xf32>,
      tpu.vector_store %arg6[%parallel_loop3A_37, %parallel_loop3A_38], %parallel_loop3A_36 {strides = array<i32>} : memref<512x100xf32, #tpu.memory_space<vmem>>, vector<16xf32>,
      %parallel_loop3A_40 = arith.index_cast %parallel_loop3A_5 : i32 to index
      %parallel_loop3A_41 = arith.constant 16 : index
      %parallel_loop3A_42 = tpu.vector_load %arg6[%parallel_loop3A_40, %parallel_loop3A_41] {strides = array<i32>} : memref<512x100xf32, #tpu.memory_space<vmem>>, vector<16xf32>,
      %parallel_loop3A_43 = arith.constant -1.000000e+00 : f32
      %parallel_loop3A_44 = vector.broadcast %parallel_loop3A_43 : f32 to vector<16xf32>
      %parallel_loop3A_45 = arith.subf %parallel_loop3A_42, %parallel_loop3A_44 : vector<16xf32>
      %parallel_loop3A_46 = arith.constant 5.000000e-01 : f32
      %parallel_loop3A_47 = vector.broadcast %parallel_loop3A_46 : f32 to vector<16xf32>
      %parallel_loop3A_48 = arith.mulf %parallel_loop3A_45, %parallel_loop3A_47 : vector<16xf32>
      %parallel_loop3A_49 = arith.constant 0.000000e+00 : f32
      %parallel_loop3A_50 = vector.broadcast %parallel_loop3A_49 : f32 to vector<16xf32>
      %parallel_loop3A_51 = arith.maximumf %parallel_loop3A_48, %parallel_loop3A_50 : vector<16xf32>
      %parallel_loop3A_52 = arith.constant 0.999998986 : f32
      %parallel_loop3A_53 = vector.broadcast %parallel_loop3A_52 : f32 to vector<16xf32>
      %parallel_loop3A_54 = arith.minimumf %parallel_loop3A_51, %parallel_loop3A_53 : vector<16xf32>
      %parallel_loop3A_55 = arith.constant 1.024000e+03 : f32
      %parallel_loop3A_56 = vector.broadcast %parallel_loop3A_55 : f32 to vector<16xf32>
      %parallel_loop3A_57 = arith.mulf %parallel_loop3A_54, %parallel_loop3A_56 : vector<16xf32>
      %parallel_loop3A_58 = arith.fptosi %parallel_loop3A_57 : vector<16xf32> to vector<16xi32>
      %parallel_loop3A_59 = arith.sitofp %parallel_loop3A_58 : vector<16xi32> to vector<16xf32>
      %parallel_loop3A_60 = arith.subf %parallel_loop3A_57, %parallel_loop3A_59 : vector<16xf32>
      %parallel_loop3A_61 = tpu.vector_load_idx %arg7[%parallel_loop3A_58] : memref<1024xf32, #tpu.memory_space<vmem>>[vector<16xi32>], vector<16xf32>,
      %parallel_loop3A_62 = tpu.vector_load_idx %arg8[%parallel_loop3A_58] : memref<1024xf32, #tpu.memory_space<vmem>>[vector<16xi32>], vector<16xf32>,
      %parallel_loop3A_63 = arith.mulf %parallel_loop3A_62, %parallel_loop3A_60 : vector<16xf32>
      %parallel_loop3A_64 = arith.addf %parallel_loop3A_61, %parallel_loop3A_63 : vector<16xf32>
      %parallel_loop3A_65 = arith.index_cast %parallel_loop3A_5 : i32 to index
      %parallel_loop3A_66 = arith.constant 16 : index
      %parallel_loop3A_67 = tpu.vector_load %arg6[%parallel_loop3A_65, %parallel_loop3A_66] {strides = array<i32>} : memref<512x100xf32, #tpu.memory_space<vmem>>, vector<16xf32>,
      tpu.vector_store %arg6[%parallel_loop3A_65, %parallel_loop3A_66], %parallel_loop3A_64 {strides = array<i32>} : memref<512x100xf32, #tpu.memory_space<vmem>>, vector<16xf32>,
      %parallel_loop3A_68 = arith.index_cast %parallel_loop3A_5 : i32 to index
      %parallel_loop3A_69 = arith.constant 32 : index
      %parallel_loop3A_70 = tpu.vector_load %arg6[%parallel_loop3A_68, %parallel_loop3A_69] {strides = array<i32>} : memref<512x100xf32, #tpu.memory_space<vmem>>, vector<16xf32>,
      %parallel_loop3A_71 = arith.constant -1.000000e+00 : f32
      %parallel_loop3A_72 = vector.broadcast %parallel_loop3A_71 : f32 to vector<16xf32>
      %parallel_loop3A_73 = arith.subf %parallel_loop3A_70, %parallel_loop3A_72 : vector<16xf32>
      %parallel_loop3A_74 = arith.constant 5.000000e-01 : f32
      %parallel_loop3A_75 = vector.broadcast %parallel_loop3A_74 : f32 to vector<16xf32>
      %parallel_loop3A_76 = arith.mulf %parallel_loop3A_73, %parallel_loop3A_75 : vector<16xf32>
      %parallel_loop3A_77 = arith.constant 0.000000e+00 : f32
      %parallel_loop3A_78 = vector.broadcast %parallel_loop3A_77 : f32 to vector<16xf32>
      %parallel_loop3A_79 = arith.maximumf %parallel_loop3A_76, %parallel_loop3A_78 : vector<16xf32>
      %parallel_loop3A_80 = arith.constant 0.999998986 : f32
      %parallel_loop3A_81 = vector.broadcast %parallel_loop3A_80 : f32 to vector<16xf32>
      %parallel_loop3A_82 = arith.minimumf %parallel_loop3A_79, %parallel_loop3A_81 : vector<16xf32>
      %parallel_loop3A_83 = arith.constant 1.024000e+03 : f32
      %parallel_loop3A_84 = vector.broadcast %parallel_loop3A_83 : f32 to vector<16xf32>
      %parallel_loop3A_85 = arith.mulf %parallel_loop3A_82, %parallel_loop3A_84 : vector<16xf32>
      %parallel_loop3A_86 = arith.fptosi %parallel_loop3A_85 : vector<16xf32> to vector<16xi32>
      %parallel_loop3A_87 = arith.sitofp %parallel_loop3A_86 : vector<16xi32> to vector<16xf32>
      %parallel_loop3A_88 = arith.subf %parallel_loop3A_85, %parallel_loop3A_87 : vector<16xf32>
      %parallel_loop3A_89 = tpu.vector_load_idx %arg7[%parallel_loop3A_86] : memref<1024xf32, #tpu.memory_space<vmem>>[vector<16xi32>], vector<16xf32>,
      %parallel_loop3A_90 = tpu.vector_load_idx %arg8[%parallel_loop3A_86] : memref<1024xf32, #tpu.memory_space<vmem>>[vector<16xi32>], vector<16xf32>,
      %parallel_loop3A_91 = arith.mulf %parallel_loop3A_90, %parallel_loop3A_88 : vector<16xf32>
      %parallel_loop3A_92 = arith.addf %parallel_loop3A_89, %parallel_loop3A_91 : vector<16xf32>
      %parallel_loop3A_93 = arith.index_cast %parallel_loop3A_5 : i32 to index
      %parallel_loop3A_94 = arith.constant 32 : index
      %parallel_loop3A_95 = tpu.vector_load %arg6[%parallel_loop3A_93, %parallel_loop3A_94] {strides = array<i32>} : memref<512x100xf32, #tpu.memory_space<vmem>>, vector<16xf32>,
      tpu.vector_store %arg6[%parallel_loop3A_93, %parallel_loop3A_94], %parallel_loop3A_92 {strides = array<i32>} : memref<512x100xf32, #tpu.memory_space<vmem>>, vector<16xf32>,
      %parallel_loop3A_96 = arith.index_cast %parallel_loop3A_5 : i32 to index
      %parallel_loop3A_97 = arith.constant 48 : index
      %parallel_loop3A_98 = tpu.vector_load %arg6[%parallel_loop3A_96, %parallel_loop3A_97] {strides = array<i32>} : memref<512x100xf32, #tpu.memory_space<vmem>>, vector<16xf32>,
      %parallel_loop3A_99 = arith.constant -1.000000e+00 : f32
      %parallel_loop3A_100 = vector.broadcast %parallel_loop3A_99 : f32 to vector<16xf32>
      %parallel_loop3A_101 = arith.subf %parallel_loop3A_98, %parallel_loop3A_100 : vector<16xf32>
      %parallel_loop3A_102 = arith.constant 5.000000e-01 : f32
      %parallel_loop3A_103 = vector.broadcast %parallel_loop3A_102 : f32 to vector<16xf32>
      %parallel_loop3A_104 = arith.mulf %parallel_loop3A_101, %parallel_loop3A_103 : vector<16xf32>
      %parallel_loop3A_105 = arith.constant 0.000000e+00 : f32
      %parallel_loop3A_106 = vector.broadcast %parallel_loop3A_105 : f32 to vector<16xf32>
      %parallel_loop3A_107 = arith.maximumf %parallel_loop3A_104, %parallel_loop3A_106 : vector<16xf32>
      %parallel_loop3A_108 = arith.constant 0.999998986 : f32
      %parallel_loop3A_109 = vector.broadcast %parallel_loop3A_108 : f32 to vector<16xf32>
      %parallel_loop3A_110 = arith.minimumf %parallel_loop3A_107, %parallel_loop3A_109 : vector<16xf32>
      %parallel_loop3A_111 = arith.constant 1.024000e+03 : f32
      %parallel_loop3A_112 = vector.broadcast %parallel_loop3A_111 : f32 to vector<16xf32>
      %parallel_loop3A_113 = arith.mulf %parallel_loop3A_110, %parallel_loop3A_112 : vector<16xf32>
      %parallel_loop3A_114 = arith.fptosi %parallel_loop3A_113 : vector<16xf32> to vector<16xi32>
      %parallel_loop3A_115 = arith.sitofp %parallel_loop3A_114 : vector<16xi32> to vector<16xf32>
      %parallel_loop3A_116 = arith.subf %parallel_loop3A_113, %parallel_loop3A_115 : vector<16xf32>
      %parallel_loop3A_117 = tpu.vector_load_idx %arg7[%parallel_loop3A_114] : memref<1024xf32, #tpu.memory_space<vmem>>[vector<16xi32>], vector<16xf32>,
      %parallel_loop3A_118 = tpu.vector_load_idx %arg8[%parallel_loop3A_114] : memref<1024xf32, #tpu.memory_space<vmem>>[vector<16xi32>], vector<16xf32>,
      %parallel_loop3A_119 = arith.mulf %parallel_loop3A_118, %parallel_loop3A_116 : vector<16xf32>
      %parallel_loop3A_120 = arith.addf %parallel_loop3A_117, %parallel_loop3A_119 : vector<16xf32>
      %parallel_loop3A_121 = arith.index_cast %parallel_loop3A_5 : i32 to index
      %parallel_loop3A_122 = arith.constant 48 : index
      %parallel_loop3A_123 = tpu.vector_load %arg6[%parallel_loop3A_121, %parallel_loop3A_122] {strides = array<i32>} : memref<512x100xf32, #tpu.memory_space<vmem>>, vector<16xf32>,
      tpu.vector_store %arg6[%parallel_loop3A_121, %parallel_loop3A_122], %parallel_loop3A_120 {strides = array<i32>} : memref<512x100xf32, #tpu.memory_space<vmem>>, vector<16xf32>,
      %parallel_loop3A_124 = arith.index_cast %parallel_loop3A_5 : i32 to index
      %parallel_loop3A_125 = arith.constant 64 : index
      %parallel_loop3A_126 = tpu.vector_load %arg6[%parallel_loop3A_124, %parallel_loop3A_125] {strides = array<i32>} : memref<512x100xf32, #tpu.memory_space<vmem>>, vector<16xf32>,
      %parallel_loop3A_127 = arith.constant -1.000000e+00 : f32
      %parallel_loop3A_128 = vector.broadcast %parallel_loop3A_127 : f32 to vector<16xf32>
      %parallel_loop3A_129 = arith.subf %parallel_loop3A_126, %parallel_loop3A_128 : vector<16xf32>
      %parallel_loop3A_130 = arith.constant 5.000000e-01 : f32
      %parallel_loop3A_131 = vector.broadcast %parallel_loop3A_130 : f32 to vector<16xf32>
      %parallel_loop3A_132 = arith.mulf %parallel_loop3A_129, %parallel_loop3A_131 : vector<16xf32>
      %parallel_loop3A_133 = arith.constant 0.000000e+00 : f32
      %parallel_loop3A_134 = vector.broadcast %parallel_loop3A_133 : f32 to vector<16xf32>
      %parallel_loop3A_135 = arith.maximumf %parallel_loop3A_132, %parallel_loop3A_134 : vector<16xf32>
      %parallel_loop3A_136 = arith.constant 0.999998986 : f32
      %parallel_loop3A_137 = vector.broadcast %parallel_loop3A_136 : f32 to vector<16xf32>
      %parallel_loop3A_138 = arith.minimumf %parallel_loop3A_135, %parallel_loop3A_137 : vector<16xf32>
      %parallel_loop3A_139 = arith.constant 1.024000e+03 : f32
      %parallel_loop3A_140 = vector.broadcast %parallel_loop3A_139 : f32 to vector<16xf32>
      %parallel_loop3A_141 = arith.mulf %parallel_loop3A_138, %parallel_loop3A_140 : vector<16xf32>
      %parallel_loop3A_142 = arith.fptosi %parallel_loop3A_141 : vector<16xf32> to vector<16xi32>
      %parallel_loop3A_143 = arith.sitofp %parallel_loop3A_142 : vector<16xi32> to vector<16xf32>
      %parallel_loop3A_144 = arith.subf %parallel_loop3A_141, %parallel_loop3A_143 : vector<16xf32>
      %parallel_loop3A_145 = tpu.vector_load_idx %arg7[%parallel_loop3A_142] : memref<1024xf32, #tpu.memory_space<vmem>>[vector<16xi32>], vector<16xf32>,
      %parallel_loop3A_146 = tpu.vector_load_idx %arg8[%parallel_loop3A_142] : memref<1024xf32, #tpu.memory_space<vmem>>[vector<16xi32>], vector<16xf32>,
      %parallel_loop3A_147 = arith.mulf %parallel_loop3A_146, %parallel_loop3A_144 : vector<16xf32>
      %parallel_loop3A_148 = arith.addf %parallel_loop3A_145, %parallel_loop3A_147 : vector<16xf32>
      %parallel_loop3A_149 = arith.index_cast %parallel_loop3A_5 : i32 to index
      %parallel_loop3A_150 = arith.constant 64 : index
      %parallel_loop3A_151 = tpu.vector_load %arg6[%parallel_loop3A_149, %parallel_loop3A_150] {strides = array<i32>} : memref<512x100xf32, #tpu.memory_space<vmem>>, vector<16xf32>,
      tpu.vector_store %arg6[%parallel_loop3A_149, %parallel_loop3A_150], %parallel_loop3A_148 {strides = array<i32>} : memref<512x100xf32, #tpu.memory_space<vmem>>, vector<16xf32>,
      %parallel_loop3A_152 = arith.constant -1.000000e+00 : f32
      %parallel_loop3A_153 = vector.broadcast %parallel_loop3A_152 : f32 to vector<16xf32>
      %parallel_loop3A_154 = arith.subf %parallel_loop3A_8, %parallel_loop3A_153 : vector<16xf32>
      %parallel_loop3A_155 = arith.constant 5.000000e-01 : f32
      %parallel_loop3A_156 = vector.broadcast %parallel_loop3A_155 : f32 to vector<16xf32>
      %parallel_loop3A_157 = arith.mulf %parallel_loop3A_154, %parallel_loop3A_156 : vector<16xf32>
      %parallel_loop3A_158 = arith.constant 0.000000e+00 : f32
      %parallel_loop3A_159 = vector.broadcast %parallel_loop3A_158 : f32 to vector<16xf32>
      %parallel_loop3A_160 = arith.maximumf %parallel_loop3A_157, %parallel_loop3A_159 : vector<16xf32>
      %parallel_loop3A_161 = arith.constant 0.999998986 : f32
      %parallel_loop3A_162 = vector.broadcast %parallel_loop3A_161 : f32 to vector<16xf32>
      %parallel_loop3A_163 = arith.minimumf %parallel_loop3A_160, %parallel_loop3A_162 : vector<16xf32>
      %parallel_loop3A_164 = arith.constant 1.024000e+03 : f32
      %parallel_loop3A_165 = vector.broadcast %parallel_loop3A_164 : f32 to vector<16xf32>
      %parallel_loop3A_166 = arith.mulf %parallel_loop3A_163, %parallel_loop3A_165 : vector<16xf32>
      %parallel_loop3A_167 = arith.fptosi %parallel_loop3A_166 : vector<16xf32> to vector<16xi32>
      %parallel_loop3A_168 = arith.sitofp %parallel_loop3A_167 : vector<16xi32> to vector<16xf32>
      %parallel_loop3A_169 = arith.subf %parallel_loop3A_166, %parallel_loop3A_168 : vector<16xf32>
      %parallel_loop3A_170 = tpu.vector_load_idx %arg7[%parallel_loop3A_167] : memref<1024xf32, #tpu.memory_space<vmem>>[vector<16xi32>], vector<16xf32>,
      %parallel_loop3A_171 = tpu.vector_load_idx %arg8[%parallel_loop3A_167] : memref<1024xf32, #tpu.memory_space<vmem>>[vector<16xi32>], vector<16xf32>,
      %parallel_loop3A_172 = arith.mulf %parallel_loop3A_171, %parallel_loop3A_169 : vector<16xf32>
      %parallel_loop3A_173 = arith.addf %parallel_loop3A_170, %parallel_loop3A_172 : vector<16xf32>
      %parallel_loop3A_174 = arith.index_cast %parallel_loop3A_5 : i32 to index
      %parallel_loop3A_175 = arith.constant 80 : index
      %parallel_loop3A_176 = tpu.vector_load %arg6[%parallel_loop3A_174, %parallel_loop3A_175] {strides = array<i32>} : memref<512x100xf32, #tpu.memory_space<vmem>>, vector<16xf32>,
      tpu.vector_store %arg6[%parallel_loop3A_174, %parallel_loop3A_175], %parallel_loop3A_173 {strides = array<i32>} : memref<512x100xf32, #tpu.memory_space<vmem>>, vector<16xf32>,
      %parallel_loop3A_177 = arith.constant -1.000000e+00 : f32
      %parallel_loop3A_178 = vector.broadcast %parallel_loop3A_177 : f32 to vector<16xf32>
      %parallel_loop3A_179 = arith.subf %parallel_loop3A_11, %parallel_loop3A_178 : vector<16xf32>
      %parallel_loop3A_180 = arith.constant 5.000000e-01 : f32
      %parallel_loop3A_181 = vector.broadcast %parallel_loop3A_180 : f32 to vector<16xf32>
      %parallel_loop3A_182 = arith.mulf %parallel_loop3A_179, %parallel_loop3A_181 : vector<16xf32>
      %parallel_loop3A_183 = arith.constant 0.000000e+00 : f32
      %parallel_loop3A_184 = vector.broadcast %parallel_loop3A_183 : f32 to vector<16xf32>
      %parallel_loop3A_185 = arith.maximumf %parallel_loop3A_182, %parallel_loop3A_184 : vector<16xf32>
      %parallel_loop3A_186 = arith.constant 0.999998986 : f32
      %parallel_loop3A_187 = vector.broadcast %parallel_loop3A_186 : f32 to vector<16xf32>
      %parallel_loop3A_188 = arith.minimumf %parallel_loop3A_185, %parallel_loop3A_187 : vector<16xf32>
      %parallel_loop3A_189 = arith.constant 1.024000e+03 : f32
      %parallel_loop3A_190 = vector.broadcast %parallel_loop3A_189 : f32 to vector<16xf32>
      %parallel_loop3A_191 = arith.mulf %parallel_loop3A_188, %parallel_loop3A_190 : vector<16xf32>
      %parallel_loop3A_192 = arith.fptosi %parallel_loop3A_191 : vector<16xf32> to vector<16xi32>
      %parallel_loop3A_193 = arith.sitofp %parallel_loop3A_192 : vector<16xi32> to vector<16xf32>
      %parallel_loop3A_194 = arith.subf %parallel_loop3A_191, %parallel_loop3A_193 : vector<16xf32>
      %parallel_loop3A_195 = tpu.vector_load_idx %arg7[%parallel_loop3A_192] : memref<1024xf32, #tpu.memory_space<vmem>>[vector<16xi32>], vector<16xf32>,
      %parallel_loop3A_196 = tpu.vector_load_idx %arg8[%parallel_loop3A_192] : memref<1024xf32, #tpu.memory_space<vmem>>[vector<16xi32>], vector<16xf32>,
      %parallel_loop3A_197 = arith.mulf %parallel_loop3A_196, %parallel_loop3A_194 : vector<16xf32>
      %parallel_loop3A_198 = arith.addf %parallel_loop3A_195, %parallel_loop3A_197 : vector<16xf32>
      %parallel_loop3A_199 = arith.index_cast %parallel_loop3A_5 : i32 to index
      %parallel_loop3A_200 = arith.constant 84 : index
      %parallel_loop3A_201 = tpu.vector_load %arg6[%parallel_loop3A_199, %parallel_loop3A_200] {strides = array<i32>} : memref<512x100xf32, #tpu.memory_space<vmem>>, vector<16xf32>,
      tpu.vector_store %arg6[%parallel_loop3A_199, %parallel_loop3A_200], %parallel_loop3A_198 {strides = array<i32>} : memref<512x100xf32, #tpu.memory_space<vmem>>, vector<16xf32>,
    } {sc.loop_unroll_factor = 2 : i64, sc.parallel_access}
    "tpu.region"() ({
      %run_scoped3A = tpu.sem_alloc : memref<!tpu.dma_semaphore, #tpu.memory_space<semaphore_mem>>
      %dma_start3A = arith.constant 0 : i32
      %dma_start3A_5 = tpu.memref_slice %arg5[%mul3A_2, %dma_start3A] : memref<16384x100xf32, #tpu.memory_space<hbm>> -> memref<512x100xf32, #tpu.memory_space<hbm>>
      %dma_start3A_6 = arith.constant 0 : i32
      %dma_start3A_7 = tpu.memref_slice %arg5[%mul3A_2, %dma_start3A_6] : memref<16384x100xf32, #tpu.memory_space<hbm>> -> memref<512x100xf32, #tpu.memory_space<hbm>>
      tpu.enqueue_dma source(%arg6 : memref<512x100xf32, #tpu.memory_space<vmem>>) target(%dma_start3A_7 : memref<512x100xf32, #tpu.memory_space<hbm>>) target_semaphore(%run_scoped3A : memref<!tpu.dma_semaphore, #tpu.memory_space<semaphore_mem>>)
      %dma_wait3A = arith.constant 0 : i32
      %dma_wait3A_8 = tpu.memref_slice %arg5[%mul3A_2, %dma_wait3A] : memref<16384x100xf32, #tpu.memory_space<hbm>> -> memref<512x100xf32, #tpu.memory_space<hbm>>
      %dma_wait3A_9 = arith.constant 0 : i32
      %dma_wait3A_10 = tpu.memref_slice %arg5[%mul3A_2, %dma_wait3A_9] : memref<16384x100xf32, #tpu.memory_space<hbm>> -> memref<512x100xf32, #tpu.memory_space<hbm>>
      tpu.wait_dma2 semaphore(%run_scoped3A : memref<!tpu.dma_semaphore, #tpu.memory_space<semaphore_mem>>) src(%arg6 : memref<512x100xf32, #tpu.memory_space<vmem>>) dst(%dma_wait3A_10 : memref<512x100xf32, #tpu.memory_space<hbm>>)
      tpu.yield
    }) : () -> ()
    return
  }
}

</mosaic_0001>

<sc_bundles>
// kernel: kernel.3.cloned.1.call-start
scs
__scs_entry_jumppad:
0x0: {  	(pc) =	sbr.rel $0x88, $3  }
0x1: {  	(tag) =	ssettag $0x0;
	lr =	simm.s32 $0x1  }
0x2: {  	[smem:$0x3F9E] =	sst lr;
	_ =	strace $0xD0000000  }
0x3: {  	_ = 	snop  }
0x4: {  	_ = 	snop  }
0x5: {  	_ = 	snop  }
0x6: {  	_ = 	snop  }
0x7: {  	_ = 	snop  }
__scs_overlays_trampoline_lowered:
0x8: {  	[smem:$0x3FAD] =	sst s0  }
0x9: {  	[smem:$0x3FAE] =	sst s1  }
0xa: {  	[smem:$0x3FAF] =	sst s2  }
0xb: {  	[smem:$0x3FB0] =	sst s3  }
0xc: {  	[smem:$0x3FB1] =	sst s4  }
0xd: {  	[smem:$0x3FB2] =	sst s5  }
0xe: {  	[smem:$0x3FB3] =	sst s6  }
0xf: {  	[smem:$0x3FB4] =	sst s7  }
0x10: {  	[smem:$0x3FB5] =	sst s8  }
0x11: {  	[smem:$0x3FB6] =	sst s9;
	s0 =	simm.s32 @!p0 $0x0  }
0x12: {  	s1 =	sld [smem:$0x3F9C];
	s0 =	simm.s32 @p0 $0x1  }
0x13: {  	[smem:$0x3FB7] =	sst s0;
	s0 =	simm.s32 @!p1 $0x0  }
0x14: {  	s2 =	sld [smem:$0x3F9B];
	s0 =	simm.s32 @p1 $0x1  }
0x15: {  	[smem:$0x3FB8] =	sst s0;
	s0 =	simm.s32 @!p2 $0x0  }
0x16: {  	s3 =	sld [smem:$0x3FDB];
	s0 =	simm.s32 @p2 $0x1  }
0x17: {  	s4 =	simm.s32 $0x1BF5;
	[smem:$0x3FBA] =	sst s0  }
0x18: {  	s0 =	sld [smem:$0x3F9D];
	_ =	swait.ge [sflag:s4], $0x0  }
0x19: {  	s7 =	sld [smem:$0x3F9E]  }
0x1a: {  	s8 =	sadd.s32 $0xFFFFE003, lr  }
0x1b: {  	s9 =	sadd.s32 $0xFFFFFEF7, lr;
	s5 =	simm.s32 $0xFFFFFFFF;
	p2 =	slt.u32 s8, $0xFFFFF086  }
0x1c: {  	p1 =	slt.u32 s9, $0xF7A;
	s5 =	simm.s32 @!p2 $0x0  }
0x1d: {  	s5 =	simm.s32 @p1 $0x1;
	p0 =	seq.s32 s7, s2  }
0x1e: {  	s7 =	smul.u32 @!p0 $0xF7A, s2;
	p2 =	seq.s32 @!p0 s5, $0x0  }
0x1f: {  	s9 =	smul.u32 $0xF7A, s1;
	s8 =	simm.s32 @!p0 $0x1BF5;
	p2 =	por !p2, p0  }
0x20: {  	[sflag:s8] =	ssyncset.s32 @!p0 $0xFFFFF086;
	s6 =	sadd.s32 @!p0 s3, s7;
	s7 =	simm.s32 @!p0 $0x108  }
0x21: {  	s3 =	sadd.s32 s3, s9;
	s6 =	sadd.s32 @!p0 $0x88, s6;
	s7 =	simm.s32 @p2 $0x1082  }
0x22: {  	[simem:s7], [sflag:s8] =	dma.local @!p0 [hbm:s6], $0xF7A  }
0x23: {  	s9 =	sor.u32 $0xD0000000, s2;
	s6 =	simm.s32 $0x108;
	_ =	swait.ge @!p0 [sflag:s8], $0x0  }
0x24: {  	s3 =	sadd.s32 $0x88, s3;
	s6 =	simm.s32 @!p1 $0x1082;
	[sflag:s4] =	ssyncset.s32 $0xFFFFF086  }
0x25: {  	[simem:s6], [sflag:s4] =	dma.local [hbm:s3], $0xF7A  }
0x26: {  	[smem:$0x3F9E] =	sst s1;
	(tag) =	ssettag s2;
	_ =	strace s9  }
0x27: {  	s1 =	sld [smem:$0x3FAE]  }
0x28: {  	s2 =	sld [smem:$0x3FAF]  }
0x29: {  	s4 =	sld [smem:$0x3FB1]  }
0x2a: {  	p0 =	seq.s32 s5, $0x0;
	s5 =	sld [smem:$0x3FB2]  }
0x2b: {  	s6 =	sld [smem:$0x3FB3]  }
0x2c: {  	s7 =	sld [smem:$0x3FB4]  }
0x2d: {  	s3 =	simm.s32 $0x108;
	s8 =	sld [smem:$0x3FB5]  }
0x2e: {  	s3 =	simm.s32 @!p0 $0x1082;
	s9 =	sld [smem:$0x3FB6]  }
0x2f: {  	lr =	sadd.s32 s0, s3;
	s0 =	sld [smem:$0x3FAD]  }
0x30: {  	s3 =	sld [smem:$0x3FB0]  }
0x31: {  	[smem:$0x3FB9] =	sst s10  }
0x32: {  	s10 =	sld [smem:$0x3FB7];
	_ =	sdelay $0x3  }
0x33: {  	p0 =	seq.s32 s10, $0x1;
	s10 =	sld [smem:$0x3FB9];
	_ =	sdelay $0x3  }
0x34: {  	[smem:$0x3FB9] =	sst s10  }
0x35: {  	s10 =	sld [smem:$0x3FB8];
	_ =	sdelay $0x3  }
0x36: {  	p1 =	seq.s32 s10, $0x1;
	s10 =	sld [smem:$0x3FB9];
	_ =	sdelay $0x3  }
0x37: {  	[smem:$0x3FB9] =	sst s10  }
0x38: {  	s10 =	sld [smem:$0x3FBA]  }
0x39: {  	_ = 	snop;
	(pc) =	sbr.ind lr, $3  }
0x3a: {  	_ = 	snop  }
0x3b: {  	_ = 	snop  }
0x3c: {  	p2 =	seq.s32 s10, $0x1;
	s10 =	sld [smem:$0x3FB9]  }
0x3d: {  	_ =	shalt  }
0x3e: {  	_ =	shalt  }
0x3f: {  	_ =	shalt  }
0x40: {  	_ =	shalt  }
0x41: {  	_ =	shalt  }
0x42: {  	_ =	shalt  }
0x43: {  	_ =	shalt  }
0x44: {  	_ =	shalt  }
0x45: {  	_ =	shalt  }
0x46: {  	_ =	shalt  }
0x47: {  	_ =	shalt  }
0x48: {  	_ =	shalt  }
0x49: {  	_ =	shalt  }
0x4a: {  	_ =	shalt  }
0x4b: {  	_ =	shalt  }
0x4c: {  	_ =	shalt  }
0x4d: {  	_ =	shalt  }
0x4e: {  	_ =	shalt  }
0x4f: {  	_ =	shalt  }
0x50: {  	_ =	shalt  }
0x51: {  	_ =	shalt  }
0x52: {  	_ =	shalt  }
0x53: {  	_ =	shalt  }
0x54: {  	_ =	shalt  }
0x55: {  	_ =	shalt  }
0x56: {  	_ =	shalt  }
0x57: {  	_ =	shalt  }
0x58: {  	_ =	shalt  }
0x59: {  	_ =	shalt  }
0x5a: {  	_ =	shalt  }
0x5b: {  	_ =	shalt  }
0x5c: {  	_ =	shalt  }
0x5d: {  	_ =	shalt  }
0x5e: {  	_ =	shalt  }
0x5f: {  	_ =	shalt  }
0x60: {  	_ =	shalt  }
0x61: {  	_ =	shalt  }
0x62: {  	_ =	shalt  }
0x63: {  	_ =	shalt  }
0x64: {  	_ =	shalt  }
0x65: {  	_ =	shalt  }
0x66: {  	_ =	shalt  }
0x67: {  	_ =	shalt  }
0x68: {  	_ =	shalt  }
0x69: {  	_ =	shalt  }
0x6a: {  	_ =	shalt  }
0x6b: {  	_ =	shalt  }
0x6c: {  	_ =	shalt  }
0x6d: {  	_ =	shalt  }
0x6e: {  	_ =	shalt  }
0x6f: {  	_ =	shalt  }
0x70: {  	_ =	shalt  }
0x71: {  	_ =	shalt  }
0x72: {  	_ =	shalt  }
0x73: {  	_ =	shalt  }
0x74: {  	_ =	shalt  }
0x75: {  	_ =	shalt  }
0x76: {  	_ =	shalt  }
0x77: {  	_ =	shalt  }
0x78: {  	_ =	shalt  }
0x79: {  	_ =	shalt  }
0x7a: {  	_ =	shalt  }
0x7b: {  	_ =	shalt  }
0x7c: {  	_ =	shalt  }
0x7d: {  	_ =	shalt  }
0x7e: {  	_ =	shalt  }
0x7f: {  	_ =	shalt  }
0x80: {  	_ =	shalt  }
0x81: {  	_ =	shalt  }
0x82: {  	_ =	shalt  }
0x83: {  	_ =	shalt  }
0x84: {  	_ =	shalt  }
0x85: {  	_ =	shalt  }
0x86: {  	_ =	shalt  }
0x87: {  	_ =	shalt  }
.Lfunc_end0:
.L_simem_size_0:
called_computation_lowered:
.L_overlay_start_0:
0x88: {  	s2 =	sld [smem:$0x3FD9]  }
0x89: {  	s3 =	sld [smem:$0x3FFE];
	_ =	sdelay $0x1  }
0x8a: {  	s1 =	srdreg.scid  }
0x8b: {  	s0 =	sand.u32 $0x1, s1  }
0x8c: {  	s17 =	sshll.u32 s0, $0xA;
	s2 =	sadd.s32 s3, s2  }
0x8d: {  	s2 =	sadd.s32 s2, s17  }
0x8e: {  	[smem:$0x3FC5] =	sst s2  }
0x8f: {  	_ = 	snop  }
0x90: {  	s2 =	sld [smem:$0x3FC8]  }
0x91: {  	s18 =	sld [smem:$0x3FC7];
	(tm) =	ssettm $0x1  }
0x92: {  	s4 =	sld [smem:$0x3FFB];
	_ =	sdelay $0x3  }
0x93: {  	_ =	strace s4  }
0x94: {  	s4 =	sld [smem:$0x3FFC];
	_ =	sdelay $0x3  }
0x95: {  	_ =	strace s4  }
0x96: {  	s4 =	sld [smem:$0x3FFD];
	_ =	sdelay $0x3  }
0x97: {  	_ =	strace s4  }
0x98: {  	_ =	strace $0x8FFFFFFF  }
0x99: {  	s19 =	sld [smem:$0x3FDB];
	_ =	sdelay $0x1  }
0x9a: {  	s5 =	simm.s32 $_scs_section_size  }
0x9b: {  	s6 =	simm.s32 $_size__tile_overlayer_lowered;
	s7 =	simm.s32 $_tile_overlayer_lowered  }
0x9c: {  	s22 =	simm.s32 $0x1BFF;
	s21 =	sshll.u32 s7, $0x1;
	s4 =	sadd.s32 s5, s19  }
0x9d: {  	s8 =	simm.s32 $0x0;
	s20 =	sshll.u32 s6, $0x1;
	s6 =	sadd.s32 s21, s4  }
0x9e: {  	[timem:s8], [sflag:s22] =	dma.local [hbm:s6], s20  }
0x9f: {  	_ =	swait.ge [sflag:s22], s20  }
0xa0: {  	s5 =	ssub.s32 $0x0, s20;
	[sflag:s22] =	ssyncset.done $0x0  }
0xa1: {  	[sflag:s22] =	ssyncadd.s32 s5;
	_ =	sdelay $0x1  }
0xa2: {  	s23 =	simm.s32 $0x1B8B  }
0xa3: {  	_ =	swait.ge [sflag:s23], $0x1  }
0xa4: {  	[sflag:s23] =	ssyncset.done $0x0  }
0xa5: {  	s25 =	simm.s32 $0x1B8E;
	s24 =	sld [smem:$0x3FFE];
	[sflag:s23] =	ssyncadd.s32 $0xFFFFFFFF  }
0xa6: {  	s26 =	simm.s32 $execute0_lowered;
	[smem:$0x3FD2] =	sst s25  }
0xa7: {  	s6 =	sshll.u32 s26, $0x1;
	_ =	strace $0x80000046;
	[dreg:$0x1] =	wrdreg $0xFFFFFFFF  }
0xa8: {  	s28 =	simm.s32 $_size_execute0_lowered;
	s4 =	sadd.s32 s4, s6;
	[dreg:$0x0] =	wrdreg $0x0  }
0xa9: {  	s6 =	sshll.u32 s28, $0x1;
	[dreg:$0x2] =	wrdreg s4  }
0xaa: {  	[dreg:$0x3] =	wrdreg s6  }
0xab: {  	[dreg:$0x4] =	wrdreg $0xC0  }
0xac: {  	_ =	task [dreg:s8], $0x5FFFF  }
0xad: {  	[dreg:$0x1] =	wrdreg $0xFFFFFFFF  }
0xae: {  	[dreg:$0x0] =	wrdreg $0x60  }
0xaf: {  	[dreg:$0x2] =	wrdreg s24  }
0xb0: {  	[dreg:$0x3] =	wrdreg s2  }
0xb1: {  	[dreg:$0x4] =	wrdreg s18  }
0xb2: {  	[dreg:$0x5] =	wrdreg $0x9  }
0xb3: {  	_ =	task.clear_ibuf [dreg:s8], $0x6FFFF;
	_ =	strace $0x90000046  }
0xb4: {  	s29 =	simm.s32 $0x9;
	_ =	strace $0x80000048  }
0xb5: {  	_ =	swait.ge [sflag:s29], $0x1  }
0xb6: {  	[sflag:s29] =	ssyncadd.s32 $0xFFFFFFFF  }
0xb7: {  	_ =	strace $0x90000048  }
0xb8: {  	_ =	sfence  }
0xb9: {  	s30 =	sld [smem:$0x0];
	_ =	sdelay $0x2  }
0xba: {  	s31 =	sshll.u32 s1, $0xD;
	s1 =	sshrl.u32 s1, $0x2  }
0xbb: {  	s3 =	sand.u32 $0x4000, s31;
	s1 =	sadd.s32 s1, s30  }
0xbc: {  	s0 =	sor.u32 s3, s0;
	s1 =	sshll.u32 s1, $0x11  }
0xbd: {  	s0 =	sor.u32 s1, s0  }
0xbe: {  	s0 =	sadd.s32 $0x8F2B, s0  }
0xbf: {  	[sflag:s0] =	ssyncadd.remote.s32 $0x1  }
0xc0: {  	_ =	sfence.sel $0xFFFF  }
0xc1: {  	[dreg:$0x0] =	wrdreg $0xFFFFFFFF;
	(pc) =	sbr.abs _section_cstart, $3  }
0xc2: {  	[dreg:$0x1] =	wrdreg $0xFFFFFFFF  }
0xc3: {  	_ =	task.clear_ibuf [dreg:s8], $0x2FFFF;
	_ =	strace $0x9FFFFFFF  }
0xc4: {  	(tm) =	ssettm $0x7FFFFFFF  }
0xc5: {  	_ =	shalt  }
tec
execute0_lowered:
.L_overlay_start_1:
0x0: {  	(tag) =	ssettag $0x1  }
0x1: {  	s5 =	rddreg [dreg:$0x0]  }
0x2: {  	s2 =	rddreg [dreg:$0x1];
	s0 =	srdreg.scid  }
0x3: {  	s3 =	rddreg [dreg:$0x2];
	s1 =	stileid.u32;
	s4 =	simm.s32 $0x0  }
0x4: {  	s9 =	simm.s32 $0x1;
	s10 =	simm.s32 $0x10400;
	s11 =	simm.s32 $0x0  }
0x5: {  	s6 =	sand.u32 $0x1, s0;
	s0 =	rddreg [dreg:$0x3];
	s7 =	sshll.u32 s1, $0xE  }
0x6: {  	[smem:$0x7FF] =	sst s4;
	s8 =	sshll.u32 s6, $0xD;
	s6 =	ssub.s32 $0x2, s6  }
0x7: {  	_ =	strace $0x80000047;
	s7 =	sor.u32 s8, s7;
	s30 =	sshrl.u32 s6, $0x1  }
0x8: {  	s8 =	simm.s32 $0x10000;
	s7 =	sadd.s32 s7, s5;
	s31 =	ssub.s32 s6, s30  }
0x9: {  	s5 =	sadd.s32 $0x400, s7;
	s6 =	sadd.s32 $0x40400, s7;
	s7 =	smax.u32 s31, $0x1  }
.LBB2_1:
0xa: {  	[tilespmem:s8], [sflag:$0x1] =	stream.linear.gather [hbm4b:s2+s4], $0x400, $0x38;
	[tilespmem:$0x10800] =	vst v63  }
0xb: {  	_ =	swait.ge [sflag:s9], $0x400  }
0xc: {  	[sflag:s9] =	ssyncset.done $0x0  }
0xd: {  	[sflag:s9] =	ssyncadd.s32 $0xFFFFFC00  }
0xe: {  	[tilespmem:s10], [sflag:$0x1] =	stream.linear.gather [hbm4b:s3+s4], $0x400, $0x38;
	[tilespmem:$0x10800] =	vst v63  }
0xf: {  	_ =	swait.ge [sflag:s9], $0x400  }
0x10: {  	[sflag:s9] =	ssyncset.done $0x0  }
0x11: {  	[sflag:s9] =	ssyncadd.s32 $0xFFFFFC00  }
0x12: {  	[tilespmem:s4], [sflag:$0x1] =	stream.linear.gather [hbm4b:s5+s4], $0x10000, $0x38;
	[tilespmem:$0x10800] =	vst v63  }
0x13: {  	_ =	swait.ge [sflag:s9], $0x10000  }
0x14: {  	[sflag:s9] =	ssyncset.done $0x0  }
0x15: {  	s12 =	simm.s32 $0x80;
	[sflag:s9] =	ssyncadd.s32 $0xFFFF0000  }
0x16: {  	v0 =	vld [tilespmem:s12+$0x0];
	_ =	sdelay $0x4  }
0x17: {  	v1 =	vld [tilespmem:s12+$0xFFFFFF80];
	v0 =	vadd.f32 $1.000000000e+00, v0;
	_ =	sdelay $0x1  }
0x18: {  	v0 =	vmul.f32 $5.000000000e-01, v0;
	_ =	sdelay $0x1  }
0x19: {  	v0 =	vmax.f32 v0, $0.0e+00  }
0x1a: {  	v2 =	vld [tilespmem:s12+$0x10];
	v1 =	vadd.f32 $1.000000000e+00, v1;
	v0 =	vmin.f32 v0, $9.999989860e-01  }
0x1b: {  	v4 =	vld [tilespmem:s12+$0xFFFFFF90];
	v0 =	vmul.f32 $1.024000000e+03, v0  }
0x1c: {  	v5 =	vld [tilespmem:s12+$0xFFFFFFA0];
	v1 =	vmul.f32 $5.000000000e-01, v1  }
0x1d: {  	v8 =	vld [tilespmem:s12+$0x20];
	v3 =	vtrunc.f32 v0  }
0x1e: {  	s13 =	simm.s32 $0x180;
	v10 =	vld [tilespmem:s12+$0xFFFFFFB0];
	v1 =	vmax.f32 v1, $0.0e+00;
	v3 =	vcvt.f32.s32 v3  }
0x1f: {  	v16 =	vld [tilespmem:s13+$0x0];
	v2 =	vadd.f32 $1.000000000e+00, v2;
	v1 =	vmin.f32 v1, $9.999989860e-01  }
0x20: {  	v17 =	vld [tilespmem:s13+$0xFFFFFF90];
	v1 =	vmul.f32 $1.024000000e+03, v1  }
0x21: {  	v24 =	vld [tilespmem:s13+$0x20];
	v2 =	vmul.f32 $5.000000000e-01, v2  }
0x22: {  	v4 =	vadd.f32 $1.000000000e+00, v4;
	v5 =	vadd.f32 $1.000000000e+00, v5;
	v6 =	vtrunc.f32 v1  }
0x23: {  	v8 =	vadd.f32 $1.000000000e+00, v8;
	v2 =	vmax.f32 v2, $0.0e+00;
	v6 =	vcvt.f32.s32 v6  }
0x24: {  	v10 =	vadd.f32 $1.000000000e+00, v10;
	v16 =	vadd.f32 $1.000000000e+00, v16;
	v2 =	vmin.f32 v2, $9.999989860e-01;
	v7 =	vld.idx.msk [tilespmem:v3+s10+$0x0], $0xffff  }
0x25: {  	v22 =	vld [tilespmem:s13+$0xFFFFFFB0];
	v17 =	vadd.f32 $1.000000000e+00, v17;
	v2 =	vmul.f32 $1.024000000e+03, v2;
	v9 =	vcvt.s32.f32 v3  }
0x26: {  	v24 =	vadd.f32 $1.000000000e+00, v24;
	v4 =	vmul.f32 $5.000000000e-01, v4;
	v5 =	vmul.f32 $5.000000000e-01, v5;
	v3 =	vld.idx.msk [tilespmem:v3+s8+$0x0], $0xffff  }
0x27: {  	v10 =	vmul.f32 $5.000000000e-01, v10;
	v0 =	vsub.f32 v0, v9;
	v9 =	vtrunc.f32 v2  }
0x28: {  	v16 =	vmul.f32 $5.000000000e-01, v16;
	v4 =	vmax.f32 v4, $0.0e+00;
	v9 =	vcvt.f32.s32 v9  }
0x29: {  	v17 =	vmul.f32 $5.000000000e-01, v17;
	v4 =	vmin.f32 v4, $9.999989860e-01;
	v0 =	vmul.f32 v0, v7;
	v7 =	vld.idx.msk [tilespmem:v6+s10+$0x0], $0xffff  }
0x2a: {  	v22 =	vadd.f32 $1.000000000e+00, v22;
	v4 =	vmul.f32 $1.024000000e+03, v4;
	v11 =	vcvt.s32.f32 v6  }
0x2b: {  	v24 =	vmul.f32 $5.000000000e-01, v24;
	v0 =	vadd.f32 v0, v3;
	v3 =	vld.idx.msk [tilespmem:v6+s8+$0x0], $0xffff;
	v6 =	vmul.f32 $5.000000000e-01, v8  }
0x2c: {  	v22 =	vmul.f32 $5.000000000e-01, v22;
	v12 =	vtrunc.f32 v4;
	v1 =	vsub.f32 v1, v11;
	v11 =	vld [tilespmem:s12+$0x30]  }
0x2d: {  	v5 =	vmax.f32 v5, $0.0e+00;
	v8 =	vld [tilespmem:s12+$0xFFFFFFC0];
	[tilespmem:s12+$0x0] =	vst v0;
	v0 =	vcvt.f32.s32 v12;
	v6 =	vmax.f32 v6, $0.0e+00  }
0x2e: {  	v10 =	vmax.f32 v10, $0.0e+00;
	v1 =	vmul.f32 v1, v7;
	v7 =	vld.idx.msk [tilespmem:v9+s10+$0x0], $0xffff;
	v6 =	vmin.f32 v6, $9.999989860e-01  }
0x2f: {  	v16 =	vmax.f32 v16, $0.0e+00;
	v13 =	vcvt.s32.f32 v9;
	v12 =	vld [tilespmem:s12+$0xFFFFFFD0];
	v6 =	vmul.f32 $1.024000000e+03, v6  }
0x30: {  	v17 =	vmax.f32 v17, $0.0e+00;
	v5 =	vmin.f32 v5, $9.999989860e-01;
	v1 =	vadd.f32 v1, v3;
	v3 =	vld.idx.msk [tilespmem:v9+s8+$0x0], $0xffff  }
0x31: {  	v5 =	vmul.f32 $1.024000000e+03, v5;
	v2 =	vsub.f32 v2, v13;
	v13 =	vtrunc.f32 v6  }
0x32: {  	v24 =	vmax.f32 v24, $0.0e+00;
	v16 =	vmin.f32 v16, $9.999989860e-01;
	[tilespmem:s12+$0xFFFFFF80] =	vst v1;
	v1 =	vcvt.f32.s32 v13  }
0x33: {  	v14 =	vtrunc.f32 v5;
	v13 =	vld.idx.msk [tilespmem:v0+s10+$0x0], $0xffff;
	v2 =	vmul.f32 v2, v7;
	v7 =	vadd.f32 $1.000000000e+00, v11  }
0x34: {  	v14 =	vcvt.f32.s32 v14;
	v8 =	vadd.f32 $1.000000000e+00, v8;
	v11 =	vcvt.s32.f32 v0  }
0x35: {  	v12 =	vadd.f32 $1.000000000e+00, v12;
	v0 =	vld.idx.msk [tilespmem:v0+s8+$0x0], $0xffff;
	v2 =	vadd.f32 v2, v3;
	v3 =	vmul.f32 $5.000000000e-01, v7  }
0x36: {  	v9 =	vld [tilespmem:s12+$0xFFFFFFD4];
	v4 =	vsub.f32 v4, v11;
	v7 =	vmul.f32 $5.000000000e-01, v8;
	v8 =	vmin.f32 v10, $9.999989860e-01  }
0x37: {  	v10 =	vcvt.s32.f32 v14;
	v11 =	vld [tilespmem:s12+$0x40];
	v8 =	vmul.f32 $1.024000000e+03, v8;
	[tilespmem:s12+$0x10] =	vst v2;
	v2 =	vmax.f32 v3, $0.0e+00  }
0x38: {  	v3 =	vmax.f32 v7, $0.0e+00;
	v4 =	vmul.f32 v4, v13;
	v7 =	vld.idx.msk [tilespmem:v1+s10+$0x0], $0xffff;
	v2 =	vmin.f32 v2, $9.999989860e-01  }
0x39: {  	v3 =	vmin.f32 v3, $9.999989860e-01;
	v13 =	vcvt.s32.f32 v1;
	v15 =	vmul.f32 $1.024000000e+03, v2  }
0x3a: {  	v1 =	vld.idx.msk [tilespmem:v1+s8+$0x0], $0xffff;
	v2 =	vtrunc.f32 v8;
	v3 =	vmul.f32 $1.024000000e+03, v3;
	v0 =	vadd.f32 v4, v0  }
0x3b: {  	v4 =	vsub.f32 v6, v13;
	v6 =	vcvt.f32.s32 v2;
	v13 =	vtrunc.f32 v15  }
0x3c: {  	v11 =	vadd.f32 $1.000000000e+00, v11;
	v2 =	vtrunc.f32 v3;
	v13 =	vcvt.f32.s32 v13;
	[tilespmem:s12+$0xFFFFFF90] =	vst v0  }
0x3d: {  	v2 =	vcvt.f32.s32 v2;
	v0 =	vmul.f32 v4, v7;
	v4 =	vadd.f32 $1.000000000e+00, v9;
	v9 =	vld.idx.msk [tilespmem:v14+s10+$0x0], $0xffff  }
0x3e: {  	v5 =	vsub.f32 v5, v10;
	v10 =	vcvt.s32.f32 v6;
	v7 =	vmul.f32 $5.000000000e-01, v12  }
0x3f: {  	v11 =	vmul.f32 $5.000000000e-01, v11;
	v0 =	vadd.f32 v0, v1;
	v1 =	vmul.f32 $5.000000000e-01, v4  }
0x40: {  	v4 =	vcvt.s32.f32 v2;
	v12 =	vmax.f32 v7, $0.0e+00;
	v7 =	vsub.f32 v8, v10;
	v8 =	vld.idx.msk [tilespmem:v14+s8+$0x0], $0xffff  }
0x41: {  	v17 =	vmin.f32 v17, $9.999989860e-01;
	v10 =	vmin.f32 v12, $9.999989860e-01;
	v12 =	vld [tilespmem:s13+$0xFFFFFF80];
	[tilespmem:s12+$0x20] =	vst v0;
	v0 =	vmax.f32 v1, $0.0e+00  }
0x42: {  	v1 =	vsub.f32 v3, v4;
	v3 =	vld.idx.msk [tilespmem:v13+s10+$0x0], $0xffff;
	v5 =	vmul.f32 v5, v9;
	v9 =	vmax.f32 v11, $0.0e+00  }
0x43: {  	v14 =	vcvt.s32.f32 v13;
	v4 =	vmul.f32 $1.024000000e+03, v10;
	v10 =	vld [tilespmem:s12+$0x50];
	v9 =	vmin.f32 v9, $9.999989860e-01  }
0x44: {  	v24 =	vmin.f32 v24, $9.999989860e-01;
	v16 =	vmul.f32 $1.024000000e+03, v16;
	v13 =	vld.idx.msk [tilespmem:v13+s8+$0x0], $0xffff;
	v9 =	vmul.f32 $1.024000000e+03, v9  }
0x45: {  	v17 =	vmul.f32 $1.024000000e+03, v17;
	v24 =	vmul.f32 $1.024000000e+03, v24;
	v14 =	vsub.f32 v15, v14  }
0x46: {  	v11 =	vtrunc.f32 v4;
	v15 =	vtrunc.f32 v9  }
0x47: {  	v0 =	vmin.f32 v0, $9.999989860e-01;
	v15 =	vcvt.f32.s32 v15;
	v14 =	vmul.f32 v14, v3  }
0x48: {  	v8 =	vadd.f32 v5, v8;
	v5 =	vcvt.f32.s32 v11;
	v12 =	vadd.f32 $1.000000000e+00, v12  }
0x49: {  	v0 =	vmul.f32 $1.024000000e+03, v0;
	v10 =	vadd.f32 $1.000000000e+00, v10;
	v13 =	vadd.f32 v14, v13;
	v14 =	vld [tilespmem:s13+$0x10]  }
0x4a: {  	v18 =	vcvt.s32.f32 v5;
	v12 =	vmul.f32 $5.000000000e-01, v12  }
0x4b: {  	v11 =	vtrunc.f32 v0;
	v10 =	vmul.f32 $5.000000000e-01, v10  }
0x4c: {  	v4 =	vsub.f32 v4, v18;
	v12 =	vmax.f32 v12, $0.0e+00;
	[tilespmem:s12+$0x30] =	vst v13;
	v13 =	vtrunc.f32 v16  }
0x4d: {  	v21 =	vcvt.s32.f32 v15;
	v10 =	vmax.f32 v10, $0.0e+00;
	v13 =	vcvt.f32.s32 v13;
	v20 =	vld.idx.msk [tilespmem:v15+s10+$0x0], $0xffff  }
0x4e: {  	v18 =	vld [tilespmem:s12+$0x54];
	v12 =	vmin.f32 v12, $9.999989860e-01;
	v10 =	vmin.f32 v10, $9.999989860e-01;
	v14 =	vadd.f32 $1.000000000e+00, v14  }
0x4f: {  	v12 =	vmul.f32 $1.024000000e+03, v12;
	v10 =	vmul.f32 $1.024000000e+03, v10;
	v15 =	vld.idx.msk [tilespmem:v15+s8+$0x0], $0xffff  }
0x50: {  	v3 =	vcvt.f32.s32 v11;
	v9 =	vsub.f32 v9, v21;
	v14 =	vmul.f32 $5.000000000e-01, v14  }
0x51: {  	v23 =	vtrunc.f32 v12;
	v21 =	vtrunc.f32 v10  }
0x52: {  	v11 =	vld [tilespmem:s13+$0xFFFFFFA0];
	v23 =	vcvt.f32.s32 v23;
	v9 =	vmul.f32 v9, v20;
	v14 =	vmax.f32 v14, $0.0e+00  }
0x53: {  	v18 =	vadd.f32 $1.000000000e+00, v18;
	v21 =	vcvt.f32.s32 v21;
	v20 =	vld.idx.msk [tilespmem:v13+s10+$0x0], $0xffff;
	v14 =	vmin.f32 v14, $9.999989860e-01  }
0x54: {  	v25 =	vcvt.s32.f32 v13;
	v9 =	vadd.f32 v9, v15;
	v14 =	vmul.f32 $1.024000000e+03, v14  }
0x55: {  	v22 =	vmax.f32 v22, $0.0e+00;
	[tilespmem:s12+$0xFFFFFFA0] =	vst v8;
	v26 =	vcvt.s32.f32 v23;
	v13 =	vld.idx.msk [tilespmem:v13+s8+$0x0], $0xffff;
	v15 =	vmul.f32 $5.000000000e-01, v18  }
0x56: {  	v8 =	vmin.f32 v22, $9.999989860e-01;
	v22 =	vld.idx.msk [tilespmem:v6+s10+$0x0], $0xffff;
	v16 =	vsub.f32 v16, v25;
	[tilespmem:s12+$0x40] =	vst v9;
	v9 =	vtrunc.f32 v14  }
0x57: {  	v12 =	vsub.f32 v12, v26;
	v26 =	vld [tilespmem:s13+$0xFFFFFFC0];
	v15 =	vmax.f32 v15, $0.0e+00;
	v9 =	vcvt.f32.s32 v9  }
0x58: {  	v11 =	vadd.f32 $1.000000000e+00, v11;
	v16 =	vmul.f32 v16, v20;
	v15 =	vmin.f32 v15, $9.999989860e-01;
	v20 =	vld.idx.msk [tilespmem:v23+s10+$0x0], $0xffff  }
0x59: {  	v27 =	vcvt.s32.f32 v21;
	v25 =	vld.idx.msk [tilespmem:v21+s10+$0x0], $0xffff;
	v15 =	vmul.f32 $1.024000000e+03, v15  }
0x5a: {  	v19 =	vcvt.s32.f32 v3;
	v11 =	vmul.f32 $5.000000000e-01, v11;
	v13 =	vadd.f32 v16, v13;
	v16 =	vld.idx.msk [tilespmem:v23+s8+$0x0], $0xffff  }
0x5b: {  	v10 =	vsub.f32 v10, v27;
	v18 =	vtrunc.f32 v17;
	v21 =	vld.idx.msk [tilespmem:v21+s8+$0x0], $0xffff;
	v27 =	vtrunc.f32 v15  }
0x5c: {  	v18 =	vcvt.f32.s32 v18;
	[tilespmem:s13+$0x0] =	vst v13;
	v13 =	vcvt.f32.s32 v27;
	v27 =	vld [tilespmem:s13+$0x30]  }
0x5d: {  	v0 =	vsub.f32 v0, v19;
	v11 =	vmax.f32 v11, $0.0e+00;
	v12 =	vmul.f32 v12, v20;
	v20 =	vld.idx.msk [tilespmem:v9+s10+$0x0], $0xffff  }
0x5e: {  	v6 =	vld.idx.msk [tilespmem:v6+s8+$0x0], $0xffff;
	v11 =	vmin.f32 v11, $9.999989860e-01;
	v28 =	vcvt.s32.f32 v9;
	v10 =	vmul.f32 v25, v10  }
0x5f: {  	v7 =	vmul.f32 v7, v22;
	v11 =	vmul.f32 $1.024000000e+03, v11;
	v9 =	vld.idx.msk [tilespmem:v9+s8+$0x0], $0xffff;
	v12 =	vadd.f32 v12, v16  }
0x60: {  	s14 =	simm.s32 $0x280;
	v14 =	vsub.f32 v14, v28;
	v10 =	vadd.f32 v10, v21;
	v21 =	vtrunc.f32 v24  }
0x61: {  	v57 =	vld [tilespmem:s14+$0x20];
	v29 =	vtrunc.f32 v11;
	v26 =	vadd.f32 $1.000000000e+00, v26;
	[tilespmem:s13+$0xFFFFFF80] =	vst v12;
	v12 =	vcvt.f32.s32 v21  }
0x62: {  	v23 =	vcvt.s32.f32 v18;
	v21 =	vld.idx.msk [tilespmem:v18+s10+$0x0], $0xffff;
	v14 =	vmul.f32 v14, v20;
	v20 =	vadd.f32 $1.000000000e+00, v27  }
0x63: {  	v6 =	vadd.f32 v7, v6;
	v19 =	vmul.f32 $5.000000000e-01, v26;
	v26 =	vmul.f32 $1.024000000e+03, v8  }
0x64: {  	v54 =	vcvt.f32.s32 v29;
	[tilespmem:s12+$0x50] =	vst v10;
	v18 =	vld.idx.msk [tilespmem:v18+s8+$0x0], $0xffff;
	v9 =	vadd.f32 v14, v9;
	v14 =	vmul.f32 $5.000000000e-01, v20  }
0x65: {  	v17 =	vsub.f32 v17, v23;
	v8 =	vtrunc.f32 v26;
	v23 =	vcvt.s32.f32 v13;
	v20 =	vld.idx.msk [tilespmem:v13+s10+$0x0], $0xffff  }
0x66: {  	v29 =	vadd.f32 $1.000000000e+00, v57;
	v25 =	vld [tilespmem:s13+$0xFFFFFFD0];
	v8 =	vcvt.f32.s32 v8;
	[tilespmem:s13+$0x10] =	vst v9;
	v9 =	vmax.f32 v14, $0.0e+00  }
0x67: {  	v14 =	vsub.f32 v15, v23;
	v15 =	vmul.f32 v17, v21;
	v17 =	vld.idx.msk [tilespmem:v12+s10+$0x0], $0xffff;
	v9 =	vmin.f32 v9, $9.999989860e-01  }
0x68: {  	v19 =	vmax.f32 v19, $0.0e+00;
	v16 =	vld [tilespmem:s13+$0xFFFFFFD4];
	v23 =	vcvt.s32.f32 v12;
	v27 =	vmul.f32 $1.024000000e+03, v9  }
0x69: {  	v19 =	vmin.f32 v19, $9.999989860e-01;
	v10 =	vcvt.s32.f32 v54;
	v15 =	vadd.f32 v15, v18;
	v18 =	vld.idx.msk [tilespmem:v12+s8+$0x0], $0xffff  }
0x6a: {  	v21 =	vld [tilespmem:s13+$0x40];
	v12 =	vsub.f32 v24, v23;
	v14 =	vmul.f32 v20, v14;
	v20 =	vtrunc.f32 v27  }
0x6b: {  	v7 =	vadd.f32 $1.000000000e+00, v25;
	v13 =	vld.idx.msk [tilespmem:v13+s8+$0x0], $0xffff;
	v9 =	vcvt.s32.f32 v8;
	[tilespmem:s13+$0xFFFFFF90] =	vst v15;
	v15 =	vcvt.f32.s32 v20  }
0x6c: {  	[tilespmem:s12+$0xFFFFFFB0] =	vst v6;
	v10 =	vsub.f32 v11, v10;
	v11 =	vmul.f32 $1.024000000e+03, v19;
	v19 =	vld.idx.msk [tilespmem:v54+s10+$0x0], $0xffff;
	v17 =	vmul.f32 v12, v17  }
0x6d: {  	v7 =	vmul.f32 $5.000000000e-01, v7;
	v20 =	vld.idx.msk [tilespmem:v2+s10+$0x0], $0xffff;
	v12 =	vsub.f32 v26, v9;
	v9 =	vadd.f32 $1.000000000e+00, v16  }
0x6e: {  	v29 =	vmul.f32 $5.000000000e-01, v29;
	v6 =	vtrunc.f32 v11;
	v2 =	vld.idx.msk [tilespmem:v2+s8+$0x0], $0xffff;
	v17 =	vadd.f32 v17, v18  }
0x6f: {  	v7 =	vmax.f32 v7, $0.0e+00;
	v21 =	vadd.f32 $1.000000000e+00, v21;
	v16 =	vld.idx.msk [tilespmem:v54+s8+$0x0], $0xffff;
	v18 =	vmul.f32 $5.000000000e-01, v9  }
0x70: {  	v6 =	vcvt.f32.s32 v6;
	v7 =	vmin.f32 v7, $9.999989860e-01;
	v9 =	vadd.f32 v14, v13;
	v14 =	vld [tilespmem:s14+$0x0];
	[tilespmem:s13+$0x20] =	vst v17  }
0x71: {  	v13 =	vmul.f32 $5.000000000e-01, v21;
	v21 =	vmul.f32 $1.024000000e+03, v7;
	v18 =	vmax.f32 v18, $0.0e+00;
	v22 =	vld.idx.msk [tilespmem:v15+s10+$0x0], $0xffff  }
0x72: {  	v17 =	vcvt.s32.f32 v6;
	v10 =	vmul.f32 v10, v19;
	v7 =	vmin.f32 v18, $9.999989860e-01;
	v18 =	vld [tilespmem:s13+$0x50]  }
0x73: {  	v13 =	vmax.f32 v13, $0.0e+00;
	v19 =	vtrunc.f32 v21;
	v1 =	vmul.f32 v1, v20;
	v24 =	vld.idx.msk [tilespmem:v15+s8+$0x0], $0xffff  }
0x74: {  	v13 =	vmin.f32 v13, $9.999989860e-01;
	v23 =	vmul.f32 $1.024000000e+03, v7;
	v7 =	vsub.f32 v11, v17;
	v17 =	vld [tilespmem:s14+$0xFFFFFF80]  }
0x75: {  	v15 =	vcvt.s32.f32 v15;
	v13 =	vmul.f32 $1.024000000e+03, v13;
	v16 =	vadd.f32 v10, v16;
	v10 =	vld [tilespmem:s14+$0xFFFFFF90]  }
0x76: {  	v11 =	vcvt.f32.s32 v19;
	v25 =	vadd.f32 v1, v2;
	v14 =	vadd.f32 $1.000000000e+00, v14  }
0x77: {  	v15 =	vsub.f32 v27, v15;
	v19 =	vtrunc.f32 v13;
	v20 =	vtrunc.f32 v23  }
0x78: {  	[tilespmem:s13+$0xFFFFFFA0] =	vst v16;
	v16 =	vld [tilespmem:s14+$0xFFFFFFD4];
	v19 =	vcvt.f32.s32 v19;
	v2 =	vmul.f32 $5.000000000e-01, v14;
	v18 =	vadd.f32 $1.000000000e+00, v18  }
0x79: {  	v14 =	vcvt.s32.f32 v11;
	v37 =	vld.idx.msk [tilespmem:v8+s10+$0x0], $0xffff;
	v1 =	vmul.f32 v15, v22;
	v15 =	vadd.f32 $1.000000000e+00, v17  }
0x7a: {  	v10 =	vadd.f32 $1.000000000e+00, v10;
	v27 =	vcvt.s32.f32 v19;
	v17 =	vmul.f32 $5.000000000e-01, v18  }
0x7b: {  	v18 =	vadd.f32 v1, v24;
	v1 =	vmax.f32 v2, $0.0e+00;
	v2 =	vmul.f32 $5.000000000e-01, v15  }
0x7c: {  	v15 =	vmin.f32 v1, $9.999989860e-01;
	v1 =	vcvt.f32.s32 v20;
	v13 =	vsub.f32 v13, v27  }
0x7d: {  	[tilespmem:s12+$0xFFFFFFC0] =	vst v25;
	v25 =	vld.idx.msk [tilespmem:v8+s8+$0x0], $0xffff;
	v16 =	vadd.f32 $1.000000000e+00, v16;
	v17 =	vmax.f32 v17, $0.0e+00;
	v15 =	vmul.f32 $1.024000000e+03, v15  }
0x7e: {  	v24 =	vld [tilespmem:s13+$0x54];
	[tilespmem:s13+$0x30] =	vst v18;
	v18 =	vmul.f32 $5.000000000e-01, v10;
	v10 =	vsub.f32 v21, v14;
	v12 =	vmul.f32 v12, v37  }
0x7f: {  	v20 =	vld [tilespmem:s14+$0x10];
	v17 =	vmin.f32 v17, $9.999989860e-01;
	v2 =	vmax.f32 v2, $0.0e+00;
	v16 =	vmul.f32 $5.000000000e-01, v16  }
0x80: {  	v22 =	vld.idx.msk [tilespmem:v19+s10+$0x0], $0xffff;
	v17 =	vmul.f32 $1.024000000e+03, v17;
	v2 =	vmin.f32 v2, $9.999989860e-01;
	v26 =	vtrunc.f32 v15  }
0x81: {  	v55 =	vld [tilespmem:s14+$0xFFFFFFA0];
	v18 =	vmax.f32 v18, $0.0e+00;
	v14 =	vmul.f32 $1.024000000e+03, v2;
	v21 =	vcvt.f32.s32 v26  }
0x82: {  	v2 =	vcvt.s32.f32 v1;
	v18 =	vmin.f32 v18, $9.999989860e-01;
	v26 =	vtrunc.f32 v17  }
0x83: {  	v25 =	vadd.f32 v12, v25;
	v18 =	vmul.f32 $1.024000000e+03, v18;
	v27 =	vtrunc.f32 v14  }
0x84: {  	v19 =	vld.idx.msk [tilespmem:v19+s8+$0x0], $0xffff;
	v20 =	vadd.f32 $1.000000000e+00, v20;
	v26 =	vcvt.f32.s32 v26;
	v31 =	vcvt.s32.f32 v21  }
0x85: {  	v27 =	vcvt.f32.s32 v27;
	v13 =	vmul.f32 v13, v22;
	v22 =	vadd.f32 $1.000000000e+00, v24  }
0x86: {  	s15 =	simm.s32 $0x380;
	v20 =	vmul.f32 $5.000000000e-01, v20;
	v24 =	vadd.f32 $1.000000000e+00, v55;
	v30 =	vtrunc.f32 v18  }
0x87: {  	v54 =	vld [tilespmem:s15+$0xFFFFFFB0];
	v2 =	vsub.f32 v23, v2;
	v58 =	vcvt.f32.s32 v30;
	v32 =	vcvt.s32.f32 v26  }
0x88: {  	v15 =	vsub.f32 v15, v31;
	v56 =	vcvt.s32.f32 v27;
	v23 =	vmul.f32 $5.000000000e-01, v24;
	v24 =	vld [tilespmem:s14+$0xFFFFFFB0]  }
0x89: {  	v13 =	vadd.f32 v13, v19;
	v19 =	vmul.f32 $5.000000000e-01, v22;
	v20 =	vmax.f32 v20, $0.0e+00;
	v22 =	vld.idx.msk [tilespmem:v21+s10+$0x0], $0xffff  }
0x8a: {  	v20 =	vmin.f32 v20, $9.999989860e-01;
	v33 =	vcvt.s32.f32 v58;
	v17 =	vsub.f32 v17, v32  }
0x8b: {  	v21 =	vld.idx.msk [tilespmem:v21+s8+$0x0], $0xffff;
	v20 =	vmul.f32 $1.024000000e+03, v20;
	[tilespmem:s13+$0x40] =	vst v13;
	v13 =	vmax.f32 v19, $0.0e+00;
	v23 =	vmax.f32 v23, $0.0e+00  }
0x8c: {  	v13 =	vmin.f32 v13, $9.999989860e-01;
	v23 =	vmin.f32 v23, $9.999989860e-01;
	v18 =	vsub.f32 v18, v33  }
0x8d: {  	v33 =	vadd.f32 $1.000000000e+00, v54;
	v59 =	vtrunc.f32 v20;
	v60 =	vld.idx.msk [tilespmem:v27+s10+$0x0], $0xffff;
	v23 =	vmul.f32 $1.024000000e+03, v23  }
0x8e: {  	v19 =	vld.idx.msk [tilespmem:v26+s10+$0x0], $0xffff;
	v30 =	vcvt.f32.s32 v59;
	v24 =	vadd.f32 $1.000000000e+00, v24;
	v15 =	vmul.f32 v15, v22  }
0x8f: {  	v14 =	vsub.f32 v14, v56;
	v13 =	vmul.f32 $1.024000000e+03, v13;
	v33 =	vmul.f32 $5.000000000e-01, v33;
	v22 =	vld [tilespmem:s14+$0xFFFFFFC0]  }
0x90: {  	v61 =	vtrunc.f32 v23;
	v24 =	vmul.f32 $5.000000000e-01, v24;
	v15 =	vadd.f32 v15, v21;
	v21 =	vld.idx.msk [tilespmem:v27+s8+$0x0], $0xffff  }
0x91: {  	v26 =	vld.idx.msk [tilespmem:v26+s8+$0x0], $0xffff;
	v34 =	vcvt.s32.f32 v30;
	v33 =	vmax.f32 v33, $0.0e+00;
	v27 =	vtrunc.f32 v13  }
0x92: {  	v33 =	vmin.f32 v33, $9.999989860e-01;
	v27 =	vcvt.f32.s32 v27;
	v14 =	vmul.f32 v14, v60  }
0x93: {  	v24 =	vmax.f32 v24, $0.0e+00;
	[tilespmem:s14+$0x0] =	vst v15;
	v15 =	vmul.f32 v19, v17;
	v17 =	vld [tilespmem:s14+$0x30];
	v19 =	vmax.f32 v29, $0.0e+00  }
0x94: {  	v20 =	vsub.f32 v20, v34;
	v62 =	vld.idx.msk [tilespmem:v30+s10+$0x0], $0xffff;
	v19 =	vmin.f32 v19, $9.999989860e-01;
	v22 =	vadd.f32 $1.000000000e+00, v22  }
0x95: {  	v51 =	vld [tilespmem:s15+$0xFFFFFFA0];
	v40 =	vcvt.s32.f32 v27;
	v19 =	vmul.f32 $1.024000000e+03, v19;
	v14 =	vadd.f32 v14, v21  }
0x96: {  	v33 =	vmul.f32 $1.024000000e+03, v33;
	v15 =	vadd.f32 v15, v26;
	v26 =	vld.idx.msk [tilespmem:v30+s8+$0x0], $0xffff;
	v21 =	vcvt.f32.s32 v61  }
0x97: {  	v63 =	vld [tilespmem:s14+$0xFFFFFFD0];
	v22 =	vmul.f32 $5.000000000e-01, v22;
	v13 =	vsub.f32 v13, v40;
	v36 =	vtrunc.f32 v19;
	[tilespmem:s14+$0xFFFFFF80] =	vst v14  }
0x98: {  	[tilespmem:s13+$0x50] =	vst v15;
	v14 =	vmin.f32 v24, $9.999989860e-01;
	v24 =	vcvt.f32.s32 v36;
	v17 =	vadd.f32 $1.000000000e+00, v17;
	v15 =	vld.idx.msk [tilespmem:v58+s10+$0x0], $0xffff  }
0x99: {  	v42 =	vld [tilespmem:s14+$0x40];
	v22 =	vmax.f32 v22, $0.0e+00;
	v14 =	vmul.f32 $1.024000000e+03, v14;
	v20 =	vmul.f32 v20, v62  }
0x9a: {  	v39 =	vcvt.s32.f32 v21;
	v28 =	vld.idx.msk [tilespmem:v58+s8+$0x0], $0xffff;
	v22 =	vmin.f32 v22, $9.999989860e-01;
	v58 =	vadd.f32 $1.000000000e+00, v51  }
0x9b: {  	v38 =	vld.idx.msk [tilespmem:v27+s10+$0x0], $0xffff;
	v17 =	vmul.f32 $5.000000000e-01, v17;
	v41 =	vtrunc.f32 v14;
	v20 =	vadd.f32 v20, v26  }
0x9c: {  	v37 =	vld [tilespmem:s15+$0x20];
	v23 =	vsub.f32 v23, v39;
	v43 =	vcvt.s32.f32 v24;
	v8 =	vcvt.f32.s32 v41  }
0x9d: {  	v22 =	vmul.f32 $1.024000000e+03, v22;
	v26 =	vld.idx.msk [tilespmem:v5+s10+$0x0], $0xffff;
	v17 =	vmax.f32 v17, $0.0e+00;
	[tilespmem:s14+$0x10] =	vst v20;
	v15 =	vmul.f32 v18, v15  }
0x9e: {  	v29 =	vmul.f32 $5.000000000e-01, v58;
	v17 =	vmin.f32 v17, $9.999989860e-01;
	v20 =	vcvt.s32.f32 v8;
	v18 =	vld.idx.msk [tilespmem:v24+s10+$0x0], $0xffff  }
0x9f: {  	v44 =	vmul.f32 $1.024000000e+03, v17;
	v17 =	vld.idx.msk [tilespmem:v24+s8+$0x0], $0xffff;
	v24 =	vadd.f32 $1.000000000e+00, v63;
	v15 =	vadd.f32 v15, v28  }
0xa0: {  	v27 =	vld.idx.msk [tilespmem:v27+s8+$0x0], $0xffff;
	v19 =	vsub.f32 v19, v43;
	v46 =	vtrunc.f32 v22;
	v13 =	vmul.f32 v38, v13  }
0xa1: {  	v5 =	vld.idx.msk [tilespmem:v5+s8+$0x0], $0xffff;
	v45 =	vtrunc.f32 v44;
	v24 =	vmul.f32 $5.000000000e-01, v24;
	v12 =	vsub.f32 v14, v20;
	[tilespmem:s14+$0xFFFFFF90] =	vst v15  }
0xa2: {  	v14 =	vadd.f32 $1.000000000e+00, v42;
	v4 =	vmul.f32 v26, v4;
	v28 =	vcvt.f32.s32 v45;
	v47 =	vld.idx.msk [tilespmem:v21+s10+$0x0], $0xffff  }
0xa3: {  	[tilespmem:s13+$0xFFFFFFB0] =	vst v25;
	v15 =	vcvt.f32.s32 v46;
	v20 =	vmax.f32 v24, $0.0e+00;
	v18 =	vmul.f32 v19, v18;
	v19 =	vld.idx.msk [tilespmem:v21+s8+$0x0], $0xffff  }
0xa4: {  	v45 =	vadd.f32 $1.000000000e+00, v37;
	v48 =	vmul.f32 $5.000000000e-01, v14;
	v21 =	vld.idx.msk [tilespmem:v6+s10+$0x0], $0xffff;
	v20 =	vmin.f32 v20, $9.999989860e-01  }
0xa5: {  	v24 =	vcvt.s32.f32 v15;
	v14 =	vmul.f32 $1.024000000e+03, v20;
	v20 =	vld [tilespmem:s15+$0x0];
	v18 =	vadd.f32 v18, v17  }
0xa6: {  	v17 =	vadd.f32 v13, v27;
	v13 =	vmax.f32 v16, $0.0e+00;
	v16 =	vmax.f32 v48, $0.0e+00  }
0xa7: {  	v25 =	vld.idx.msk [tilespmem:v6+s8+$0x0], $0xffff;
	v26 =	vcvt.s32.f32 v28;
	v16 =	vmin.f32 v16, $9.999989860e-01;
	v13 =	vmin.f32 v13, $9.999989860e-01  }
0xa8: {  	v6 =	vsub.f32 v22, v24;
	v24 =	vld [tilespmem:s14+$0x50];
	[tilespmem:s14+$0x20] =	vst v18;
	v49 =	vmul.f32 $1.024000000e+03, v16;
	v16 =	vmul.f32 $1.024000000e+03, v13  }
0xa9: {  	v13 =	vadd.f32 v4, v5;
	v18 =	vld.idx.msk [tilespmem:v28+s10+$0x0], $0xffff;
	v22 =	vmul.f32 v23, v47;
	v23 =	vtrunc.f32 v14  }
0xaa: {  	v4 =	vld [tilespmem:s15+$0xFFFFFF80];
	v7 =	vmul.f32 v7, v21;
	v5 =	vcvt.f32.s32 v23;
	v20 =	vadd.f32 $1.000000000e+00, v20  }
0xab: {  	v21 =	vld [tilespmem:s15+$0xFFFFFF90];
	v19 =	vadd.f32 v22, v19;
	v22 =	vsub.f32 v44, v26;
	v26 =	vtrunc.f32 v49  }
0xac: {  	v29 =	vmax.f32 v29, $0.0e+00;
	v27 =	vld.idx.msk [tilespmem:v28+s8+$0x0], $0xffff;
	v23 =	vcvt.f32.s32 v26;
	v26 =	vtrunc.f32 v16  }
0xad: {  	v20 =	vmul.f32 $5.000000000e-01, v20;
	[tilespmem:s14+$0xFFFFFFA0] =	vst v19;
	v19 =	vmin.f32 v29, $9.999989860e-01;
	v29 =	vmul.f32 $5.000000000e-01, v45  }
0xae: {  	v18 =	vmul.f32 v22, v18;
	v22 =	vadd.f32 $1.000000000e+00, v24;
	v24 =	vadd.f32 v7, v25  }
0xaf: {  	v7 =	vcvt.s32.f32 v5;
	v25 =	vadd.f32 $1.000000000e+00, v4;
	v4 =	vcvt.f32.s32 v26  }
0xb0: {  	v21 =	vadd.f32 $1.000000000e+00, v21;
	v20 =	vmax.f32 v20, $0.0e+00;
	v26 =	vld [tilespmem:s15+$0x10];
	v53 =	vcvt.s32.f32 v23  }
0xb1: {  	v20 =	vmin.f32 v20, $9.999989860e-01;
	v18 =	vadd.f32 v18, v27;
	v25 =	vmul.f32 $5.000000000e-01, v25  }
0xb2: {  	v22 =	vmul.f32 $5.000000000e-01, v22;
	v20 =	vmul.f32 $1.024000000e+03, v20  }
0xb3: {  	v19 =	vmul.f32 $1.024000000e+03, v19;
	v21 =	vmul.f32 $5.000000000e-01, v21;
	[tilespmem:s14+$0x30] =	vst v18;
	v25 =	vmax.f32 v25, $0.0e+00  }
0xb4: {  	v18 =	vmax.f32 v22, $0.0e+00;
	v52 =	vtrunc.f32 v20;
	v27 =	vld.idx.msk [tilespmem:v23+s10+$0x0], $0xffff;
	v25 =	vmin.f32 v25, $9.999989860e-01  }
0xb5: {  	v50 =	vld [tilespmem:s14+$0x54];
	v18 =	vmin.f32 v18, $9.999989860e-01;
	v26 =	vadd.f32 $1.000000000e+00, v26;
	v25 =	vmul.f32 $1.024000000e+03, v25  }
0xb6: {  	v31 =	vcvt.f32.s32 v52;
	v23 =	vld.idx.msk [tilespmem:v23+s8+$0x0], $0xffff;
	v18 =	vmul.f32 $1.024000000e+03, v18  }
0xb7: {  	v28 =	vsub.f32 v49, v53;
	v26 =	vmul.f32 $5.000000000e-01, v26;
	v56 =	vtrunc.f32 v25  }
0xb8: {  	v29 =	vmax.f32 v29, $0.0e+00;
	v55 =	vtrunc.f32 v18;
	v34 =	vcvt.f32.s32 v56  }
0xb9: {  	v29 =	vmin.f32 v29, $9.999989860e-01;
	v32 =	vcvt.f32.s32 v55;
	v27 =	vmul.f32 v28, v27  }
0xba: {  	v57 =	vadd.f32 $1.000000000e+00, v50;
	v59 =	vld [tilespmem:s15+$0xFFFFFFC0];
	v50 =	vtrunc.f32 v19;
	v29 =	vmul.f32 $1.024000000e+03, v29  }
0xbb: {  	v47 =	vld.idx.msk [tilespmem:v8+s10+$0x0], $0xffff;
	v22 =	vcvt.s32.f32 v4;
	v26 =	vmax.f32 v26, $0.0e+00;
	v23 =	vadd.f32 v27, v23  }
0xbc: {  	v21 =	vmax.f32 v21, $0.0e+00;
	v38 =	vcvt.s32.f32 v31;
	v26 =	vmin.f32 v26, $9.999989860e-01;
	v36 =	vld.idx.msk [tilespmem:v31+s10+$0x0], $0xffff  }
0xbd: {  	v21 =	vmin.f32 v21, $9.999989860e-01;
	v28 =	vmul.f32 $5.000000000e-01, v57;
	v31 =	vld.idx.msk [tilespmem:v31+s8+$0x0], $0xffff;
	[tilespmem:s14+$0x40] =	vst v23;
	v23 =	vmul.f32 $1.024000000e+03, v26  }
0xbe: {  	v21 =	vmul.f32 $1.024000000e+03, v21;
	v20 =	vsub.f32 v20, v38;
	v35 =	vcvt.s32.f32 v34;
	v61 =	vld.idx.msk [tilespmem:v34+s10+$0x0], $0xffff  }
0xbf: {  	v39 =	vcvt.s32.f32 v32;
	v28 =	vmax.f32 v28, $0.0e+00;
	v60 =	vld.idx.msk [tilespmem:v32+s10+$0x0], $0xffff;
	v62 =	vtrunc.f32 v23  }
0xc0: {  	v27 =	vtrunc.f32 v21;
	v26 =	vmin.f32 v28, $9.999989860e-01;
	v34 =	vld.idx.msk [tilespmem:v34+s8+$0x0], $0xffff;
	v38 =	vcvt.f32.s32 v62  }
0xc1: {  	v25 =	vsub.f32 v25, v35;
	v26 =	vmul.f32 $1.024000000e+03, v26;
	v32 =	vld.idx.msk [tilespmem:v32+s8+$0x0], $0xffff;
	v20 =	vmul.f32 v20, v36  }
0xc2: {  	v48 =	vld.idx.msk [tilespmem:v8+s8+$0x0], $0xffff;
	v12 =	vmul.f32 v12, v47;
	v27 =	vcvt.f32.s32 v27;
	v18 =	vsub.f32 v18, v39  }
0xc3: {  	v44 =	vtrunc.f32 v26;
	v20 =	vadd.f32 v20, v31;
	v8 =	vmul.f32 v25, v61  }
0xc4: {  	v46 =	vcvt.f32.s32 v44;
	v18 =	vmul.f32 v60, v18  }
0xc5: {  	v54 =	vld [tilespmem:s15+$0x30];
	v63 =	vcvt.s32.f32 v27;
	v25 =	vadd.f32 $1.000000000e+00, v59;
	[tilespmem:s15+$0x0] =	vst v20;
	v8 =	vadd.f32 v8, v34  }
0xc6: {  	v53 =	vcvt.s32.f32 v38;
	v20 =	vcvt.f32.s32 v50;
	v18 =	vadd.f32 v18, v32;
	v51 =	vld.idx.msk [tilespmem:v38+s10+$0x0], $0xffff  }
0xc7: {  	v49 =	vld [tilespmem:s15+$0xFFFFFFD0];
	v28 =	vadd.f32 v12, v48;
	v55 =	vcvt.s32.f32 v46;
	v25 =	vmul.f32 $5.000000000e-01, v25;
	[tilespmem:s15+$0xFFFFFF80] =	vst v8  }
0xc8: {  	v23 =	vsub.f32 v23, v53;
	v40 =	vcvt.s32.f32 v20;
	v38 =	vld.idx.msk [tilespmem:v38+s8+$0x0], $0xffff;
	[tilespmem:s14+$0x50] =	vst v18;
	v18 =	vtrunc.f32 v29  }
0xc9: {  	v8 =	vsub.f32 v14, v7;
	v7 =	vsub.f32 v16, v22;
	v14 =	vld.idx.msk [tilespmem:v27+s10+$0x0], $0xffff;
	v56 =	vcvt.f32.s32 v18  }
0xca: {  	v22 =	vld.idx.msk [tilespmem:v46+s10+$0x0], $0xffff;
	v18 =	vmax.f32 v25, $0.0e+00;
	v25 =	vsub.f32 v26, v55;
	v26 =	vadd.f32 $1.000000000e+00, v54  }
0xcb: {  	v21 =	vsub.f32 v21, v63;
	v16 =	vtrunc.f32 v33;
	v27 =	vld.idx.msk [tilespmem:v27+s8+$0x0], $0xffff;
	v23 =	vmul.f32 v23, v51  }
0xcc: {  	[tilespmem:s13+$0xFFFFFFC0] =	vst v24;
	v52 =	vld [tilespmem:s15+$0xFFFFFFD4];
	v59 =	vsub.f32 v19, v40;
	v16 =	vcvt.f32.s32 v16;
	v26 =	vmul.f32 $5.000000000e-01, v26  }
0xcd: {  	v57 =	vld.idx.msk [tilespmem:v11+s10+$0x0], $0xffff;
	v18 =	vmin.f32 v18, $9.999989860e-01;
	v60 =	vcvt.s32.f32 v56;
	v23 =	vadd.f32 v23, v38  }
0xce: {  	v58 =	vld.idx.msk [tilespmem:v46+s8+$0x0], $0xffff;
	v24 =	vcvt.s32.f32 v16;
	v12 =	vmax.f32 v26, $0.0e+00;
	v21 =	vmul.f32 v21, v14  }
0xcf: {  	v29 =	vsub.f32 v29, v60;
	v19 =	vmul.f32 v22, v25;
	v25 =	vmul.f32 $1.024000000e+03, v18;
	v14 =	vld.idx.msk [tilespmem:v11+s8+$0x0], $0xffff;
	[tilespmem:s15+$0x10] =	vst v23  }
0xd0: {  	v12 =	vmin.f32 v12, $9.999989860e-01;
	v11 =	vadd.f32 v21, v27;
	v21 =	vadd.f32 $1.000000000e+00, v49;
	v26 =	vld.idx.msk [tilespmem:v56+s10+$0x0], $0xffff  }
0xd1: {  	v18 =	vmul.f32 $1.024000000e+03, v12;
	v22 =	vtrunc.f32 v25;
	v23 =	vadd.f32 $1.000000000e+00, v52;
	v27 =	vld [tilespmem:s15+$0x40]  }
0xd2: {  	v12 =	vsub.f32 v33, v24;
	v24 =	vld.idx.msk [tilespmem:v56+s8+$0x0], $0xffff;
	[tilespmem:s15+$0xFFFFFF90] =	vst v11;
	v11 =	vcvt.f32.s32 v22;
	v21 =	vmul.f32 $5.000000000e-01, v21  }
0xd3: {  	[tilespmem:s12+$0x54] =	vst v9;
	v61 =	vadd.f32 v19, v58;
	v19 =	vmul.f32 $5.000000000e-01, v23;
	v22 =	vtrunc.f32 v18;
	v62 =	vld.idx.msk [tilespmem:v20+s10+$0x0], $0xffff  }
0xd4: {  	[tilespmem:s14+$0xFFFFFFB0] =	vst v28;
	v22 =	vcvt.f32.s32 v22;
	v23 =	vld.idx.msk [tilespmem:v20+s8+$0x0], $0xffff;
	v63 =	vcvt.s32.f32 v11;
	v21 =	vmax.f32 v21, $0.0e+00  }
0xd5: {  	[tilespmem:s12+$0xFFFFFFD0] =	vst v13;
	v20 =	vld.idx.msk [tilespmem:v15+s10+$0x0], $0xffff;
	v9 =	vmin.f32 v21, $9.999989860e-01;
	v26 =	vmul.f32 v29, v26  }
0xd6: {  	v13 =	vld.idx.msk [tilespmem:v3+s10+$0x0], $0xffff;
	v21 =	vmax.f32 v19, $0.0e+00;
	v19 =	vsub.f32 v25, v63;
	v25 =	vadd.f32 $1.000000000e+00, v27  }
0xd7: {  	[tilespmem:s13+$0x54] =	vst v17;
	v10 =	vmul.f32 v57, v10;
	v15 =	vld.idx.msk [tilespmem:v15+s8+$0x0], $0xffff;
	v17 =	vmul.f32 $1.024000000e+03, v9;
	v24 =	vadd.f32 v26, v24  }
0xd8: {  	s16 =	simm.s32 $0x6;
	s17 =	simm.s32 $0x480;
	v3 =	vld.idx.msk [tilespmem:v3+s8+$0x0], $0xffff;
	[tilespmem:s14+$0x54] =	vst v61;
	v21 =	vmin.f32 v21, $9.999989860e-01;
	v9 =	vmul.f32 v59, v62;
	v25 =	vmul.f32 $5.000000000e-01, v25  }
.LBB2_2:
0xd9: {  	v26 =	vld [tilespmem:s17+$0x0];
	v27 =	vtrunc.f32 v17;
	v21 =	vmul.f32 $1.024000000e+03, v21;
	[tilespmem:s15+$0x20] =	vst v24;
	v10 =	vadd.f32 v10, v14  }
0xda: {  	s16 =	sadd.s32 $0x2, s16;
	v20 =	vmul.f32 v6, v20;
	v6 =	vmovc v19;
	v9 =	vadd.f32 v9, v23;
	v14 =	vld.idx.msk [tilespmem:v22+s10+$0x0], $0xffff;
	v23 =	vmax.f32 v25, $0.0e+00  }
0xdb: {  	p0 =	slt.u32 s16, $0x1FE;
	v24 =	vcvt.f32.s32 v27;
	v19 =	vtrunc.f32 v21;
	v25 =	vld [tilespmem:s15+$0x50];
	v23 =	vmin.f32 v23, $9.999989860e-01;
	[tilespmem:s13+$0xFFFFFFD0] =	vst v10  }
0xdc: {  	v15 =	vadd.f32 v20, v15;
	[tilespmem:s15+$0xFFFFFFA0] =	vst v9;
	v9 =	vcvt.s32.f32 v22;
	v10 =	vld.idx.msk [tilespmem:v22+s8+$0x0], $0xffff;
	v22 =	vmul.f32 $1.024000000e+03, v23  }
0xdd: {  	v27 =	vcvt.s32.f32 v24;
	v20 =	vcvt.f32.s32 v19;
	v23 =	vld [tilespmem:s17+$0xFFFFFF80]  }
0xde: {  	v13 =	vmul.f32 v13, v0;
	v0 =	vmovc v2;
	v19 =	vld [tilespmem:s17+$0xFFFFFF90];
	v18 =	vsub.f32 v18, v9;
	v28 =	vtrunc.f32 v22;
	[tilespmem:s14+$0xFFFFFFC0] =	vst v15  }
0xdf: {  	v2 =	vmovc v7;
	v15 =	vadd.f32 $1.000000000e+00, v26;
	v9 =	vsub.f32 v17, v27;
	v29 =	vld [tilespmem:s17+$0xFFFFFFA0];
	v26 =	vcvt.f32.s32 v28  }
0xe0: {  	v7 =	vcvt.s32.f32 v20;
	v27 =	vld [tilespmem:s17+$0xFFFFFFB0];
	v14 =	vmul.f32 v18, v14;
	v18 =	vadd.f32 $1.000000000e+00, v25  }
0xe1: {  	v3 =	vadd.f32 v13, v3;
	v15 =	vmul.f32 $5.000000000e-01, v15;
	v25 =	vld [tilespmem:s17+$0xFFFFFFC0]  }
0xe2: {  	v13 =	vadd.f32 $1.000000000e+00, v23;
	v17 =	vld.idx.msk [tilespmem:v16+s10+$0x0], $0xffff;
	v10 =	vadd.f32 v14, v10;
	v14 =	vmul.f32 $5.000000000e-01, v18  }
0xe3: {  	v7 =	vsub.f32 v21, v7;
	v18 =	vadd.f32 $1.000000000e+00, v19;
	v19 =	vmax.f32 v15, $0.0e+00;
	v15 =	vld.idx.msk [tilespmem:v16+s8+$0x0], $0xffff;
	[tilespmem:s12+$0xFFFFFFD4] =	vst v3;
	s12 =	smov.u32 s13;
	s13 =	smov.u32 s14;
	s14 =	smov.u32 s15  }
0xe4: {  	s15 =	smov.u32 s17;
	v3 =	vmul.f32 $5.000000000e-01, v13;
	v13 =	vmin.f32 v19, $9.999989860e-01;
	v16 =	vld [tilespmem:s17+$0x10];
	[tilespmem:s14+$0x30] =	vst v10;
	v10 =	vmax.f32 v14, $0.0e+00  }
0xe5: {  	v14 =	vmul.f32 $5.000000000e-01, v18;
	v21 =	vmul.f32 $1.024000000e+03, v13;
	v13 =	vld.idx.msk [tilespmem:v26+s10+$0x0], $0xffff;
	v10 =	vmin.f32 v10, $9.999989860e-01  }
0xe6: {  	v23 =	vadd.f32 $1.000000000e+00, v29;
	v3 =	vmax.f32 v3, $0.0e+00;
	v28 =	vld [tilespmem:s14+$0x54];
	v29 =	vmul.f32 $1.024000000e+03, v10  }
0xe7: {  	v30 =	vcvt.s32.f32 v26;
	v3 =	vmin.f32 v3, $9.999989860e-01;
	v10 =	vtrunc.f32 v21;
	v26 =	vld.idx.msk [tilespmem:v26+s8+$0x0], $0xffff  }
0xe8: {  	v14 =	vmax.f32 v14, $0.0e+00;
	v19 =	vld [tilespmem:s17+$0xFFFFFFD0];
	v3 =	vmul.f32 $1.024000000e+03, v3;
	v31 =	vcvt.f32.s32 v10  }
0xe9: {  	v32 =	vmin.f32 v14, $9.999989860e-01;
	v14 =	vsub.f32 v22, v30;
	v10 =	vtrunc.f32 v29;
	v18 =	vld [tilespmem:s17+$0xFFFFFFD4]  }
0xea: {  	v16 =	vadd.f32 $1.000000000e+00, v16;
	v30 =	vcvt.f32.s32 v10;
	v22 =	vtrunc.f32 v3;
	v10 =	vld.idx.msk [tilespmem:v5+s10+$0x0], $0xffff  }
0xeb: {  	v33 =	vmul.f32 v14, v13;
	v22 =	vcvt.f32.s32 v22;
	v28 =	vadd.f32 $1.000000000e+00, v28;
	v14 =	vld.idx.msk [tilespmem:v5+s8+$0x0], $0xffff;
	v5 =	vmovc v24  }
0xec: {  	v27 =	vadd.f32 $1.000000000e+00, v27;
	v24 =	vmul.f32 $1.024000000e+03, v32;
	v16 =	vmul.f32 $5.000000000e-01, v16;
	v13 =	vld.idx.msk [tilespmem:v1+s10+$0x0], $0xffff  }
0xed: {  	v26 =	vadd.f32 v33, v26;
	v32 =	vcvt.s32.f32 v22;
	v34 =	vld [tilespmem:s17+$0x20];
	v28 =	vmul.f32 $5.000000000e-01, v28  }
0xee: {  	v23 =	vmul.f32 $5.000000000e-01, v23;
	v33 =	vtrunc.f32 v24;
	v16 =	vmax.f32 v16, $0.0e+00;
	v35 =	vld.idx.msk [tilespmem:v31+s10+$0x0], $0xffff  }
0xef: {  	v32 =	vsub.f32 v3, v32;
	v36 =	vld.idx.msk [tilespmem:v31+s8+$0x0], $0xffff;
	v3 =	vmin.f32 v16, $9.999989860e-01;
	[tilespmem:s14+$0x40] =	vst v26;
	v16 =	vmax.f32 v28, $0.0e+00  }
0xf0: {  	v26 =	vcvt.s32.f32 v31;
	v28 =	vmul.f32 $1.024000000e+03, v3;
	v31 =	vld.idx.msk [tilespmem:v30+s10+$0x0], $0xffff;
	v3 =	vmin.f32 v16, $9.999989860e-01  }
0xf1: {  	v23 =	vmax.f32 v23, $0.0e+00;
	v33 =	vcvt.f32.s32 v33;
	v16 =	vld.idx.msk [tilespmem:v22+s10+$0x0], $0xffff;
	v37 =	vmul.f32 $1.024000000e+03, v3  }
0xf2: {  	v3 =	vsub.f32 v21, v26;
	v26 =	vcvt.s32.f32 v30;
	v21 =	vtrunc.f32 v28;
	v30 =	vld.idx.msk [tilespmem:v30+s8+$0x0], $0xffff  }
0xf3: {  	v23 =	vmin.f32 v23, $9.999989860e-01;
	v38 =	vcvt.s32.f32 v33;
	v22 =	vld.idx.msk [tilespmem:v22+s8+$0x0], $0xffff;
	v21 =	vcvt.f32.s32 v21  }
0xf4: {  	v35 =	vmul.f32 v3, v35;
	v26 =	vsub.f32 v29, v26;
	v29 =	vtrunc.f32 v37;
	v3 =	vld.idx.msk [tilespmem:v1+s8+$0x0], $0xffff;
	v1 =	vmovc v4  }
0xf5: {  	v24 =	vsub.f32 v24, v38;
	v34 =	vadd.f32 $1.000000000e+00, v34;
	v29 =	vcvt.f32.s32 v29;
	v4 =	vmovc v20  }
0xf6: {  	v20 =	vmul.f32 $1.024000000e+03, v23;
	v23 =	vadd.f32 v35, v36;
	v26 =	vmul.f32 v31, v26  }
0xf7: {  	v25 =	vadd.f32 $1.000000000e+00, v25;
	v31 =	vmul.f32 $5.000000000e-01, v34;
	v16 =	vmul.f32 v32, v16  }
0xf8: {  	v27 =	vmul.f32 $5.000000000e-01, v27;
	v32 =	vtrunc.f32 v20;
	v26 =	vadd.f32 v26, v30;
	[tilespmem:s17+$0x0] =	vst v23;
	v23 =	vld [tilespmem:s17+$0x30]  }
0xf9: {  	v31 =	vmax.f32 v31, $0.0e+00;
	v16 =	vadd.f32 v16, v22;
	v22 =	vcvt.f32.s32 v32;
	v30 =	vld.idx.msk [tilespmem:v21+s10+$0x0], $0xffff  }
0xfa: {  	v25 =	vmul.f32 $5.000000000e-01, v25;
	v27 =	vmax.f32 v27, $0.0e+00;
	v31 =	vmin.f32 v31, $9.999989860e-01;
	v32 =	vld.idx.msk [tilespmem:v21+s8+$0x0], $0xffff;
	[tilespmem:s14+$0x50] =	vst v26  }
0xfb: {  	v21 =	vcvt.s32.f32 v21;
	v26 =	vmul.f32 $1.024000000e+03, v31;
	[tilespmem:s17+$0xFFFFFF80] =	vst v16;
	v16 =	vmin.f32 v27, $9.999989860e-01;
	v27 =	vld.idx.msk [tilespmem:v29+s10+$0x0], $0xffff  }
0xfc: {  	v25 =	vmax.f32 v25, $0.0e+00;
	v34 =	vcvt.s32.f32 v22;
	v31 =	vld.idx.msk [tilespmem:v33+s10+$0x0], $0xffff;
	v35 =	vmul.f32 $1.024000000e+03, v16  }
0xfd: {  	v21 =	vsub.f32 v28, v21;
	v16 =	vtrunc.f32 v26;
	v28 =	vcvt.s32.f32 v29;
	v29 =	vld.idx.msk [tilespmem:v29+s8+$0x0], $0xffff  }
0xfe: {  	v34 =	vsub.f32 v20, v34;
	v36 =	vcvt.f32.s32 v16;
	v33 =	vld.idx.msk [tilespmem:v33+s8+$0x0], $0xffff;
	v20 =	vtrunc.f32 v35  }
0xff: {  	v16 =	vcvt.f32.s32 v20;
	v20 =	vmul.f32 v21, v30;
	v21 =	vsub.f32 v37, v28  }
0x100: {  	v12 =	vmul.f32 v12, v17;
	v25 =	vmin.f32 v25, $9.999989860e-01;
	v23 =	vadd.f32 $1.000000000e+00, v23  }
0x101: {  	v17 =	vcvt.s32.f32 v16;
	v20 =	vadd.f32 v20, v32;
	v21 =	vmul.f32 v27, v21  }
0x102: {  	v15 =	vadd.f32 v12, v15;
	v23 =	vmul.f32 $5.000000000e-01, v23;
	v24 =	vmul.f32 v24, v31  }
0x103: {  	v12 =	vsub.f32 v35, v17;
	v17 =	vmul.f32 $1.024000000e+03, v25;
	[tilespmem:s17+$0x10] =	vst v20;
	v20 =	vadd.f32 v21, v29  }
0x104: {  	v19 =	vadd.f32 $1.000000000e+00, v19;
	v23 =	vmax.f32 v23, $0.0e+00;
	v21 =	vadd.f32 v24, v33;
	v24 =	vld.idx.msk [tilespmem:v36+s10+$0x0], $0xffff;
	[tilespmem:s14+$0xFFFFFFB0] =	vst v15  }
0x105: {  	v25 =	vadd.f32 $1.000000000e+00, v18;
	v18 =	vmin.f32 v23, $9.999989860e-01;
	v15 =	vtrunc.f32 v17;
	v27 =	vld [tilespmem:s17+$0x40];
	[tilespmem:s14+$0x54] =	vst v20  }
0x106: {  	v18 =	vmul.f32 $1.024000000e+03, v18;
	v20 =	vcvt.s32.f32 v36;
	[tilespmem:s17+$0xFFFFFF90] =	vst v21;
	v28 =	vld.idx.msk [tilespmem:v36+s8+$0x0], $0xffff  }
0x107: {  	v21 =	vcvt.f32.s32 v15;
	v15 =	vmul.f32 $5.000000000e-01, v19;
	v29 =	vld.idx.msk [tilespmem:v22+s10+$0x0], $0xffff  }
0x108: {  	v19 =	vmul.f32 $5.000000000e-01, v25;
	v25 =	vsub.f32 v26, v20;
	v20 =	vtrunc.f32 v18;
	v23 =	vld.idx.msk [tilespmem:v22+s8+$0x0], $0xffff  }
.Ltmp0:
0x109: {  	v26 =	vcvt.s32.f32 v21;
	v15 =	vmax.f32 v15, $0.0e+00;
	v22 =	vcvt.f32.s32 v20;
	v20 =	vld.idx.msk [tilespmem:v11+s10+$0x0], $0xffff;
	(pc) =	sbr.rel @p0 .LBB2_2-.Ltmp0, $4  }
0x10a: {  	v31 =	vmax.f32 v19, $0.0e+00;
	v30 =	vmin.f32 v15, $9.999989860e-01;
	v24 =	vmul.f32 v25, v24;
	v15 =	vld.idx.msk [tilespmem:v11+s8+$0x0], $0xffff;
	v11 =	vmovc v21  }
0x10b: {  	v19 =	vsub.f32 v17, v26;
	v17 =	vmul.f32 $1.024000000e+03, v30;
	v25 =	vadd.f32 $1.000000000e+00, v27  }
0x10c: {  	v10 =	vmul.f32 v10, v8;
	v8 =	vmovc v9;
	v21 =	vmin.f32 v31, $9.999989860e-01;
	v24 =	vadd.f32 v24, v28  }
0x10d: {  	s17 =	sadd.s32 $0x100, s17;
	v9 =	vmul.f32 v34, v29;
	v25 =	vmul.f32 $5.000000000e-01, v25  }
0x10e: {  	_ =	sdelay $0x2  }
0x10f: {  	[tilespmem:s15+$0x20] =	vst v24;
	v50 =	vld [tilespmem:s15+$0x50];
	v9 =	vadd.f32 v9, v23  }
0x110: {  	v48 =	vmax.f32 v25, $0.0e+00;
	v49 =	vld.idx.msk [tilespmem:v22+s10+$0x0], $0xffff  }
0x111: {  	v26 =	vcvt.s32.f32 v22;
	v51 =	vld.idx.msk [tilespmem:v22+s8+$0x0], $0xffff;
	v24 =	vmin.f32 v48, $9.999989860e-01;
	[tilespmem:s15+$0xFFFFFFA0] =	vst v9  }
0x112: {  	v24 =	vmul.f32 $1.024000000e+03, v24;
	v54 =	vld.idx.msk [tilespmem:v16+s10+$0x0], $0xffff  }
0x113: {  	v52 =	vsub.f32 v18, v26  }
0x114: {  	v55 =	vld.idx.msk [tilespmem:v16+s8+$0x0], $0xffff;
	v53 =	vtrunc.f32 v24  }
0x115: {  	v18 =	vcvt.f32.s32 v53;
	v9 =	vmul.f32 v52, v49  }
0x116: {  	v23 =	vadd.f32 $1.000000000e+00, v50  }
0x117: {  	v9 =	vadd.f32 v9, v51;
	v57 =	vmul.f32 v12, v54  }
0x118: {  	v56 =	vmul.f32 $5.000000000e-01, v23  }
0x119: {  	[tilespmem:s15+$0x30] =	vst v9;
	v9 =	vadd.f32 v57, v55  }
0x11a: {  	v60 =	vld [tilespmem:s15+$0x54];
	v58 =	vmax.f32 v56, $0.0e+00  }
0x11b: {  	v12 =	vmin.f32 v58, $9.999989860e-01;
	v59 =	vld.idx.msk [tilespmem:v18+s10+$0x0], $0xffff;
	[tilespmem:s15+$0xFFFFFFB0] =	vst v9  }
0x11c: {  	v61 =	vcvt.s32.f32 v18;
	v12 =	vmul.f32 $1.024000000e+03, v12;
	v28 =	vld.idx.msk [tilespmem:v11+s10+$0x0], $0xffff  }
0x11d: {  	v31 =	vtrunc.f32 v17;
	v18 =	vld.idx.msk [tilespmem:v18+s8+$0x0], $0xffff  }
0x11e: {  	v6 =	vmul.f32 v6, v20;
	v62 =	vsub.f32 v24, v61;
	v63 =	vtrunc.f32 v12;
	v30 =	vld.idx.msk [tilespmem:v11+s8+$0x0], $0xffff  }
0x11f: {  	v32 =	vcvt.f32.s32 v31;
	v16 =	vcvt.f32.s32 v63  }
0x120: {  	v6 =	vadd.f32 v6, v15;
	v29 =	vadd.f32 $1.000000000e+00, v60;
	v9 =	vmul.f32 v62, v59  }
0x121: {  	v34 =	vmul.f32 v19, v28  }
0x122: {  	[tilespmem:s14+$0xFFFFFFC0] =	vst v6;
	v33 =	vmul.f32 $5.000000000e-01, v29;
	v9 =	vadd.f32 v9, v18  }
0x123: {  	v37 =	vld.idx.msk [tilespmem:v5+s10+$0x0], $0xffff;
	v11 =	vadd.f32 v34, v30  }
0x124: {  	v43 =	vld.idx.msk [tilespmem:v5+s8+$0x0], $0xffff;
	v35 =	vmax.f32 v33, $0.0e+00;
	[tilespmem:s15+$0x40] =	vst v9  }
0x125: {  	v9 =	vmin.f32 v35, $9.999989860e-01;
	v36 =	vld.idx.msk [tilespmem:v16+s10+$0x0], $0xffff;
	[tilespmem:s15+$0xFFFFFFC0] =	vst v11  }
0x126: {  	v38 =	vcvt.s32.f32 v16;
	v9 =	vmul.f32 $1.024000000e+03, v9;
	v41 =	vld.idx.msk [tilespmem:v32+s10+$0x0], $0xffff  }
0x127: {  	v39 =	vmul.f32 $1.024000000e+03, v21;
	v10 =	vadd.f32 v10, v14;
	v42 =	vcvt.s32.f32 v32;
	v16 =	vld.idx.msk [tilespmem:v16+s8+$0x0], $0xffff  }
0x128: {  	v8 =	vmul.f32 v37, v8;
	v12 =	vsub.f32 v12, v38;
	v40 =	vtrunc.f32 v9;
	v44 =	vld.idx.msk [tilespmem:v32+s8+$0x0], $0xffff  }
0x129: {  	v45 =	vtrunc.f32 v39;
	v46 =	vsub.f32 v17, v42;
	v18 =	vcvt.f32.s32 v40  }
0x12a: {  	[tilespmem:s13+$0xFFFFFFD0] =	vst v10;
	v47 =	vcvt.f32.s32 v45;
	v5 =	vadd.f32 v8, v43;
	v6 =	vmul.f32 v36, v12  }
0x12b: {  	v48 =	vld.idx.msk [tilespmem:v1+s10+$0x0], $0xffff;
	v49 =	vmul.f32 v41, v46  }
0x12c: {  	v50 =	vld.idx.msk [tilespmem:v1+s8+$0x0], $0xffff;
	[tilespmem:s14+$0xFFFFFFD0] =	vst v5;
	v6 =	vadd.f32 v6, v16  }
0x12d: {  	v5 =	vld.idx.msk [tilespmem:v4+s10+$0x0], $0xffff;
	v51 =	vadd.f32 v49, v44  }
0x12e: {  	v57 =	vld.idx.msk [tilespmem:v4+s8+$0x0], $0xffff;
	[tilespmem:s15+$0x50] =	vst v6  }
0x12f: {  	v6 =	vld.idx.msk [tilespmem:v18+s10+$0x0], $0xffff;
	[tilespmem:s15+$0xFFFFFFD0] =	vst v51  }
0x130: {  	v52 =	vcvt.s32.f32 v18;
	v55 =	vld.idx.msk [tilespmem:v47+s10+$0x0], $0xffff  }
0x131: {  	v0 =	vmul.f32 v13, v0;
	v56 =	vcvt.s32.f32 v47;
	v53 =	vld.idx.msk [tilespmem:v18+s8+$0x0], $0xffff  }
0x132: {  	v2 =	vmul.f32 v48, v2;
	v54 =	vsub.f32 v9, v52;
	v58 =	vld.idx.msk [tilespmem:v47+s8+$0x0], $0xffff  }
0x133: {  	v0 =	vadd.f32 v0, v3;
	v59 =	vsub.f32 v39, v56;
	v5 =	vmul.f32 v5, v7  }
0x134: {  	v60 =	vadd.f32 v2, v50;
	v6 =	vmul.f32 v6, v54  }
0x135: {  	[tilespmem:s12+$0xFFFFFFD4] =	vst v0;
	v62 =	vadd.f32 v5, v57;
	v61 =	vmul.f32 v55, v59  }
0x136: {  	[tilespmem:s13+$0xFFFFFFD4] =	vst v60;
	v6 =	vadd.f32 v6, v53  }
0x137: {  	s11 =	sadd.s32 $0x1, s11;
	[tilespmem:s14+$0xFFFFFFD4] =	vst v62;
	v63 =	vadd.f32 v61, v58  }
0x138: {  	p0 =	sne.s32 s11, s7;
	[tilespmem:s15+$0x54] =	vst v6  }
.Ltmp1:
0x139: {  	[tilespmem:s15+$0xFFFFFFD4] =	vst v63;
	(pc) =	sbr.rel @p0 .LBB2_1-.Ltmp1, $4  }
0x13a: {  	[hbm4b:s6+s4] =	stream.linear.scatter [tilespmem:s4], [sflag:$0x1], $0x10000, $0x38;
	[tilespmem:$0x10800] =	vst v63  }
0x13b: {  	_ =	swait.ge [sflag:s9], $0x10000  }
0x13c: {  	[sflag:s9] =	ssyncset.done $0x0  }
0x13d: {  	[sflag:s9] =	ssyncadd.s32 $0xFFFF0000  }
0x13e: {  	_ =	sfence.sel $0x180000  }
0x13f: {  	[bflag:$0x0] =	sbarrier.arrive $0xFFFF  }
0x140: {  	p0 =	sne.s32 s1, $0x0;
	_ =	strace $0x90000047  }
0x141: {  	s0 =	sadd.s32 @!p0 $0x100000, s0;
	[bflag:$0x2] =	sbarrier.arrive $0xFFFF  }
0x142: {  	[sflag:s0] =	ssyncadd.tile.s32 @!p0 $0x1;
	_ =	shalt  }
.Lfunc_end2:
_tile_overlayer_lowered:
.L_overlay_start_2:
0x143: {  	(tag) =	ssettag $0x2  }
0x144: {  	s0 =	rddreg [dreg:$0x0];
	s2 =	stileid.u32  }
0x145: {  	s1 =	rddreg [dreg:$0x1];
	p0 =	sne.s32 s2, $0x0  }
0x146: {  	s3 =	rddreg [dreg:$0x2];
	[bflag:$0x3] =	sbarrier.arrive $0xFFFF;
	s2 =	simm.s32 @!p0 $0x1C01  }
0x147: {  	[timem:s3], [sflag:s2] =	dma.local @!p0 [hbm:s0], s1  }
0x148: {  	s0 =	simm.s32 @!p0 $0x1  }
0x149: {  	_ =	swait.ge @!p0 [sflag:s0], s1  }
0x14a: {  	s1 =	ssub.s32 @!p0 $0x0, s1;
	[sflag:s0] =	ssyncset.done @!p0 $0x0  }
0x14b: {  	[sflag:s0] =	ssyncadd.s32 @!p0 s1  }
0x14c: {  	[bflag:$0x3] =	sbarrier.arrive $0xFFFF  }
0x14d: {  	_ =	shalt  }

</sc_bundles>
